<compile_context>
chip_gen: v7x
topology: tpu7x:2x2x1
jax: 0.10.2.dev20260603
libtpu: 0.0.44.dev20260713+nightly
codegen_flags: <defaults>
</compile_context>

<pallas_src>
import functools

import jax
import jax.numpy as jnp
from jax import lax
from jax.experimental import pallas as pl
from jax.experimental.pallas import tpu as pltpu
from jax.experimental.pallas import tpu_sc as plsc

SEQ = 8192
DIM = 4096
NUM_CORES = 2
NUM_SUBCORES = 16
NUM_WORKERS = NUM_CORES * NUM_SUBCORES
ROWS_PER_WORKER = SEQ // NUM_WORKERS

ROWS_PER_CHUNK = 4
NBUF = 6
LAG = NBUF // 2
NCHUNK = ROWS_PER_WORKER // ROWS_PER_CHUNK

_mesh = plsc.VectorSubcoreMesh(
    core_axis_name="c", subcore_axis_name="s", num_cores=NUM_CORES
)


@functools.partial(
    pl.kernel,
    out_type=jax.ShapeDtypeStruct((SEQ, DIM), jnp.float32),
    mesh=_mesh,
    scratch_types=[
        pltpu.VMEM_SHARED((NUM_SUBCORES, NBUF, ROWS_PER_CHUNK, DIM), jnp.float32),
        pltpu.SemaphoreType.DMA((NBUF,)),
        pltpu.SemaphoreType.DMA((NBUF,)),
    ],
)
def _sc_identity_gather(table_hbm, out_hbm, shared_bufs, load_sems, store_sems):
    wid = lax.axis_index("s") * NUM_CORES + lax.axis_index("c")
    wbase = wid * ROWS_PER_WORKER
    bufs = shared_bufs.at[lax.axis_index("s")]

    def load_desc(i, b):
        row = wbase + i * ROWS_PER_CHUNK
        return pltpu.make_async_copy(
            table_hbm.at[pl.ds(row, ROWS_PER_CHUNK)], bufs.at[b], load_sems.at[b]
        )

    def store_desc(i, b):
        row = wbase + i * ROWS_PER_CHUNK
        return pltpu.make_async_copy(
            bufs.at[b], out_hbm.at[pl.ds(row, ROWS_PER_CHUNK)], store_sems.at[b]
        )

    for b in range(NBUF):
        load_desc(b, b).start()

    for i in range(LAG):
        load_desc(i, i % NBUF).wait()
        store_desc(i, i % NBUF).start()

    def step(i, carry):
        b = i % NBUF
        load_desc(i, b).wait()
        store_desc(i, b).start()
        j = i - LAG
        bj = j % NBUF
        store_desc(j, bj).wait()
        load_desc(j + NBUF, bj).start()
        return carry

    lax.fori_loop(LAG, NCHUNK - LAG, step, 0)

    for i in range(NCHUNK - LAG, NCHUNK):
        b = i % NBUF
        load_desc(i, b).wait()
        store_desc(i, b).start()
        store_desc(i - LAG, (i - LAG) % NBUF).wait()

    for i in range(NCHUNK - LAG, NCHUNK):
        store_desc(i, i % NBUF).wait()


def kernel(x, emb_weight):
    del x
    return _sc_identity_gather(emb_weight)

# --- scband reference (transcript-rebuilt; emitter-appended) ---
"""Pipeline reference for scband-learned-position-embeddings-69509750718552 (READ-ONLY COPY).

The authoritative reference and input builder live on the scoring server;
editing this copy changes nothing except your own understanding.
"""

import jax, jax.numpy as jnp
import numpy as np

SEQ_LEN = 8192
MODEL_DIM = 4096

def setup_inputs(seed: int = 0) -> dict:
    key = jax.random.key(seed)
    k1, k2 = jax.random.split(key)
    x = jax.random.randint(k1, (4, 8192), 0, 8192, dtype=jnp.int64 if jax.config.jax_enable_x64 else jnp.int32)
    emb_weight = jax.random.normal(k2, (SEQ_LEN, MODEL_DIM), dtype=jnp.float32) * 0.02
    return {"x": x, "emb_weight": emb_weight}

def reference(x, emb_weight):
    # relative=False path: embed positions arange(0, sl) where sl = x.shape[1]
    sl = x.shape[1]
    pos = jnp.arange(0, sl, dtype=jnp.int32)
    return jnp.take(emb_weight, pos, axis=0)

if __name__ == "__main__":
    import jax
    _d = setup_inputs()
    print(jax.jit(kernel)(*tuple(_d.values())))

</pallas_src>

<mosaic_0001>
#map = affine_map<(d0, d1) -> (0, 0)>
module attributes {stable_mosaic.version = 14 : i64} {
  func.func @_sc_identity_gather(%arg0: i32, %arg1: i32, %arg2: memref<8192x4096xf32, #tpu.memory_space<hbm>>, %arg3: memref<8192x4096xf32, #tpu.memory_space<hbm>>, %arg4: memref<16x6x4x4096xf32, #tpu.memory_space<vmem_shared>>, %arg5: memref<6x!tpu.dma_semaphore, #tpu.memory_space<semaphore_mem>>, %arg6: memref<6x!tpu.dma_semaphore, #tpu.memory_space<semaphore_mem>>) attributes {dimension_semantics = [#tpu.dimension_semantics<core_parallel>, #tpu.dimension_semantics<subcore_parallel>], iteration_bounds = array<i64: 2, 16>, scalar_prefetch = 0 : i64, scratch_operands = 3 : i64, tpu.core_type = #tpu.core_type<sc_vector_subcore>, window_params = [{transform_indices = #map}, {transform_indices = #map}]} {
    %mul3A = arith.constant 2 : i32
    %mul3A_0 = arith.muli %arg1, %mul3A : i32
    %add3A = arith.addi %mul3A_0, %arg0 : i32
    %mul3A_1 = arith.constant 256 : i32
    %mul3A_2 = arith.muli %add3A, %mul3A_1 : i32
    %add3A_3 = arith.constant 0 : i32
    %add3A_4 = arith.addi %mul3A_2, %add3A_3 : i32
    %dma_start3A = arith.constant 0 : i32
    %dma_start3A_5 = arith.constant 0 : i32
    %dma_start3A_6 = tpu.memref_slice %arg5[%dma_start3A_5] : memref<6x!tpu.dma_semaphore, #tpu.memory_space<semaphore_mem>> -> memref<1x!tpu.dma_semaphore, #tpu.memory_space<semaphore_mem>>
    %dma_start3A_7 = tpu.memref_squeeze %dma_start3A_6 : memref<1x!tpu.dma_semaphore, #tpu.memory_space<semaphore_mem>> -> memref<!tpu.dma_semaphore, #tpu.memory_space<semaphore_mem>>
    %dma_start3A_8 = arith.constant 0 : i32
    %dma_start3A_9 = arith.constant 0 : i32
    %dma_start3A_10 = arith.constant 0 : i32
    %dma_start3A_11 = tpu.memref_slice %arg4[%arg1, %dma_start3A_8, %dma_start3A_9, %dma_start3A_10] : memref<16x6x4x4096xf32, #tpu.memory_space<vmem_shared>> -> memref<1x6x4x4096xf32, #tpu.memory_space<vmem_shared>>
    %dma_start3A_12 = tpu.memref_squeeze %dma_start3A_11 : memref<1x6x4x4096xf32, #tpu.memory_space<vmem_shared>> -> memref<6x4x4096xf32, #tpu.memory_space<vmem_shared>>
    %dma_start3A_13 = arith.constant 0 : i32
    %dma_start3A_14 = arith.constant 0 : i32
    %dma_start3A_15 = tpu.memref_slice %dma_start3A_12[%dma_start3A, %dma_start3A_13, %dma_start3A_14] : memref<6x4x4096xf32, #tpu.memory_space<vmem_shared>> -> memref<1x4x4096xf32, #tpu.memory_space<vmem_shared>>
    %dma_start3A_16 = tpu.memref_squeeze %dma_start3A_15 : memref<1x4x4096xf32, #tpu.memory_space<vmem_shared>> -> memref<4x4096xf32, #tpu.memory_space<vmem_shared>>
    %dma_start3A_17 = arith.constant 0 : i32
    %dma_start3A_18 = tpu.memref_slice %arg2[%add3A_4, %dma_start3A_17] : memref<8192x4096xf32, #tpu.memory_space<hbm>> -> memref<4x4096xf32, #tpu.memory_space<hbm>>
    tpu.enqueue_dma source(%dma_start3A_18 : memref<4x4096xf32, #tpu.memory_space<hbm>>) target(%dma_start3A_16 : memref<4x4096xf32, #tpu.memory_space<vmem_shared>>) target_semaphore(%dma_start3A_7 : memref<!tpu.dma_semaphore, #tpu.memory_space<semaphore_mem>>)
    %add3A_19 = arith.constant 4 : i32
    %add3A_20 = arith.addi %mul3A_2, %add3A_19 : i32
    %dma_start3A_21 = arith.constant 1 : i32
    %dma_start3A_22 = arith.constant 1 : i32
    %dma_start3A_23 = tpu.memref_slice %arg5[%dma_start3A_22] : memref<6x!tpu.dma_semaphore, #tpu.memory_space<semaphore_mem>> -> memref<1x!tpu.dma_semaphore, #tpu.memory_space<semaphore_mem>>
    %dma_start3A_24 = tpu.memref_squeeze %dma_start3A_23 : memref<1x!tpu.dma_semaphore, #tpu.memory_space<semaphore_mem>> -> memref<!tpu.dma_semaphore, #tpu.memory_space<semaphore_mem>>
    %dma_start3A_25 = arith.constant 0 : i32
    %dma_start3A_26 = arith.constant 0 : i32
    %dma_start3A_27 = arith.constant 0 : i32
    %dma_start3A_28 = tpu.memref_slice %arg4[%arg1, %dma_start3A_25, %dma_start3A_26, %dma_start3A_27] : memref<16x6x4x4096xf32, #tpu.memory_space<vmem_shared>> -> memref<1x6x4x4096xf32, #tpu.memory_space<vmem_shared>>
    %dma_start3A_29 = tpu.memref_squeeze %dma_start3A_28 : memref<1x6x4x4096xf32, #tpu.memory_space<vmem_shared>> -> memref<6x4x4096xf32, #tpu.memory_space<vmem_shared>>
    %dma_start3A_30 = arith.constant 0 : i32
    %dma_start3A_31 = arith.constant 0 : i32
    %dma_start3A_32 = tpu.memref_slice %dma_start3A_29[%dma_start3A_21, %dma_start3A_30, %dma_start3A_31] : memref<6x4x4096xf32, #tpu.memory_space<vmem_shared>> -> memref<1x4x4096xf32, #tpu.memory_space<vmem_shared>>
    %dma_start3A_33 = tpu.memref_squeeze %dma_start3A_32 : memref<1x4x4096xf32, #tpu.memory_space<vmem_shared>> -> memref<4x4096xf32, #tpu.memory_space<vmem_shared>>
    %dma_start3A_34 = arith.constant 0 : i32
    %dma_start3A_35 = tpu.memref_slice %arg2[%add3A_20, %dma_start3A_34] : memref<8192x4096xf32, #tpu.memory_space<hbm>> -> memref<4x4096xf32, #tpu.memory_space<hbm>>
    tpu.enqueue_dma source(%dma_start3A_35 : memref<4x4096xf32, #tpu.memory_space<hbm>>) target(%dma_start3A_33 : memref<4x4096xf32, #tpu.memory_space<vmem_shared>>) target_semaphore(%dma_start3A_24 : memref<!tpu.dma_semaphore, #tpu.memory_space<semaphore_mem>>)
    %add3A_36 = arith.constant 8 : i32
    %add3A_37 = arith.addi %mul3A_2, %add3A_36 : i32
    %dma_start3A_38 = arith.constant 2 : i32
    %dma_start3A_39 = arith.constant 2 : i32
    %dma_start3A_40 = tpu.memref_slice %arg5[%dma_start3A_39] : memref<6x!tpu.dma_semaphore, #tpu.memory_space<semaphore_mem>> -> memref<1x!tpu.dma_semaphore, #tpu.memory_space<semaphore_mem>>
    %dma_start3A_41 = tpu.memref_squeeze %dma_start3A_40 : memref<1x!tpu.dma_semaphore, #tpu.memory_space<semaphore_mem>> -> memref<!tpu.dma_semaphore, #tpu.memory_space<semaphore_mem>>
    %dma_start3A_42 = arith.constant 0 : i32
    %dma_start3A_43 = arith.constant 0 : i32
    %dma_start3A_44 = arith.constant 0 : i32
    %dma_start3A_45 = tpu.memref_slice %arg4[%arg1, %dma_start3A_42, %dma_start3A_43, %dma_start3A_44] : memref<16x6x4x4096xf32, #tpu.memory_space<vmem_shared>> -> memref<1x6x4x4096xf32, #tpu.memory_space<vmem_shared>>
    %dma_start3A_46 = tpu.memref_squeeze %dma_start3A_45 : memref<1x6x4x4096xf32, #tpu.memory_space<vmem_shared>> -> memref<6x4x4096xf32, #tpu.memory_space<vmem_shared>>
    %dma_start3A_47 = arith.constant 0 : i32
    %dma_start3A_48 = arith.constant 0 : i32
    %dma_start3A_49 = tpu.memref_slice %dma_start3A_46[%dma_start3A_38, %dma_start3A_47, %dma_start3A_48] : memref<6x4x4096xf32, #tpu.memory_space<vmem_shared>> -> memref<1x4x4096xf32, #tpu.memory_space<vmem_shared>>
    %dma_start3A_50 = tpu.memref_squeeze %dma_start3A_49 : memref<1x4x4096xf32, #tpu.memory_space<vmem_shared>> -> memref<4x4096xf32, #tpu.memory_space<vmem_shared>>
    %dma_start3A_51 = arith.constant 0 : i32
    %dma_start3A_52 = tpu.memref_slice %arg2[%add3A_37, %dma_start3A_51] : memref<8192x4096xf32, #tpu.memory_space<hbm>> -> memref<4x4096xf32, #tpu.memory_space<hbm>>
    tpu.enqueue_dma source(%dma_start3A_52 : memref<4x4096xf32, #tpu.memory_space<hbm>>) target(%dma_start3A_50 : memref<4x4096xf32, #tpu.memory_space<vmem_shared>>) target_semaphore(%dma_start3A_41 : memref<!tpu.dma_semaphore, #tpu.memory_space<semaphore_mem>>)
    %add3A_53 = arith.constant 12 : i32
    %add3A_54 = arith.addi %mul3A_2, %add3A_53 : i32
    %dma_start3A_55 = arith.constant 3 : i32
    %dma_start3A_56 = arith.constant 3 : i32
    %dma_start3A_57 = tpu.memref_slice %arg5[%dma_start3A_56] : memref<6x!tpu.dma_semaphore, #tpu.memory_space<semaphore_mem>> -> memref<1x!tpu.dma_semaphore, #tpu.memory_space<semaphore_mem>>
    %dma_start3A_58 = tpu.memref_squeeze %dma_start3A_57 : memref<1x!tpu.dma_semaphore, #tpu.memory_space<semaphore_mem>> -> memref<!tpu.dma_semaphore, #tpu.memory_space<semaphore_mem>>
    %dma_start3A_59 = arith.constant 0 : i32
    %dma_start3A_60 = arith.constant 0 : i32
    %dma_start3A_61 = arith.constant 0 : i32
    %dma_start3A_62 = tpu.memref_slice %arg4[%arg1, %dma_start3A_59, %dma_start3A_60, %dma_start3A_61] : memref<16x6x4x4096xf32, #tpu.memory_space<vmem_shared>> -> memref<1x6x4x4096xf32, #tpu.memory_space<vmem_shared>>
    %dma_start3A_63 = tpu.memref_squeeze %dma_start3A_62 : memref<1x6x4x4096xf32, #tpu.memory_space<vmem_shared>> -> memref<6x4x4096xf32, #tpu.memory_space<vmem_shared>>
    %dma_start3A_64 = arith.constant 0 : i32
    %dma_start3A_65 = arith.constant 0 : i32
    %dma_start3A_66 = tpu.memref_slice %dma_start3A_63[%dma_start3A_55, %dma_start3A_64, %dma_start3A_65] : memref<6x4x4096xf32, #tpu.memory_space<vmem_shared>> -> memref<1x4x4096xf32, #tpu.memory_space<vmem_shared>>
    %dma_start3A_67 = tpu.memref_squeeze %dma_start3A_66 : memref<1x4x4096xf32, #tpu.memory_space<vmem_shared>> -> memref<4x4096xf32, #tpu.memory_space<vmem_shared>>
    %dma_start3A_68 = arith.constant 0 : i32
    %dma_start3A_69 = tpu.memref_slice %arg2[%add3A_54, %dma_start3A_68] : memref<8192x4096xf32, #tpu.memory_space<hbm>> -> memref<4x4096xf32, #tpu.memory_space<hbm>>
    tpu.enqueue_dma source(%dma_start3A_69 : memref<4x4096xf32, #tpu.memory_space<hbm>>) target(%dma_start3A_67 : memref<4x4096xf32, #tpu.memory_space<vmem_shared>>) target_semaphore(%dma_start3A_58 : memref<!tpu.dma_semaphore, #tpu.memory_space<semaphore_mem>>)
    %add3A_70 = arith.constant 16 : i32
    %add3A_71 = arith.addi %mul3A_2, %add3A_70 : i32
    %dma_start3A_72 = arith.constant 4 : i32
    %dma_start3A_73 = arith.constant 4 : i32
    %dma_start3A_74 = tpu.memref_slice %arg5[%dma_start3A_73] : memref<6x!tpu.dma_semaphore, #tpu.memory_space<semaphore_mem>> -> memref<1x!tpu.dma_semaphore, #tpu.memory_space<semaphore_mem>>
    %dma_start3A_75 = tpu.memref_squeeze %dma_start3A_74 : memref<1x!tpu.dma_semaphore, #tpu.memory_space<semaphore_mem>> -> memref<!tpu.dma_semaphore, #tpu.memory_space<semaphore_mem>>
    %dma_start3A_76 = arith.constant 0 : i32
    %dma_start3A_77 = arith.constant 0 : i32
    %dma_start3A_78 = arith.constant 0 : i32
    %dma_start3A_79 = tpu.memref_slice %arg4[%arg1, %dma_start3A_76, %dma_start3A_77, %dma_start3A_78] : memref<16x6x4x4096xf32, #tpu.memory_space<vmem_shared>> -> memref<1x6x4x4096xf32, #tpu.memory_space<vmem_shared>>
    %dma_start3A_80 = tpu.memref_squeeze %dma_start3A_79 : memref<1x6x4x4096xf32, #tpu.memory_space<vmem_shared>> -> memref<6x4x4096xf32, #tpu.memory_space<vmem_shared>>
    %dma_start3A_81 = arith.constant 0 : i32
    %dma_start3A_82 = arith.constant 0 : i32
    %dma_start3A_83 = tpu.memref_slice %dma_start3A_80[%dma_start3A_72, %dma_start3A_81, %dma_start3A_82] : memref<6x4x4096xf32, #tpu.memory_space<vmem_shared>> -> memref<1x4x4096xf32, #tpu.memory_space<vmem_shared>>
    %dma_start3A_84 = tpu.memref_squeeze %dma_start3A_83 : memref<1x4x4096xf32, #tpu.memory_space<vmem_shared>> -> memref<4x4096xf32, #tpu.memory_space<vmem_shared>>
    %dma_start3A_85 = arith.constant 0 : i32
    %dma_start3A_86 = tpu.memref_slice %arg2[%add3A_71, %dma_start3A_85] : memref<8192x4096xf32, #tpu.memory_space<hbm>> -> memref<4x4096xf32, #tpu.memory_space<hbm>>
    tpu.enqueue_dma source(%dma_start3A_86 : memref<4x4096xf32, #tpu.memory_space<hbm>>) target(%dma_start3A_84 : memref<4x4096xf32, #tpu.memory_space<vmem_shared>>) target_semaphore(%dma_start3A_75 : memref<!tpu.dma_semaphore, #tpu.memory_space<semaphore_mem>>)
    %add3A_87 = arith.constant 20 : i32
    %add3A_88 = arith.addi %mul3A_2, %add3A_87 : i32
    %dma_start3A_89 = arith.constant 5 : i32
    %dma_start3A_90 = arith.constant 5 : i32
    %dma_start3A_91 = tpu.memref_slice %arg5[%dma_start3A_90] : memref<6x!tpu.dma_semaphore, #tpu.memory_space<semaphore_mem>> -> memref<1x!tpu.dma_semaphore, #tpu.memory_space<semaphore_mem>>
    %dma_start3A_92 = tpu.memref_squeeze %dma_start3A_91 : memref<1x!tpu.dma_semaphore, #tpu.memory_space<semaphore_mem>> -> memref<!tpu.dma_semaphore, #tpu.memory_space<semaphore_mem>>
    %dma_start3A_93 = arith.constant 0 : i32
    %dma_start3A_94 = arith.constant 0 : i32
    %dma_start3A_95 = arith.constant 0 : i32
    %dma_start3A_96 = tpu.memref_slice %arg4[%arg1, %dma_start3A_93, %dma_start3A_94, %dma_start3A_95] : memref<16x6x4x4096xf32, #tpu.memory_space<vmem_shared>> -> memref<1x6x4x4096xf32, #tpu.memory_space<vmem_shared>>
    %dma_start3A_97 = tpu.memref_squeeze %dma_start3A_96 : memref<1x6x4x4096xf32, #tpu.memory_space<vmem_shared>> -> memref<6x4x4096xf32, #tpu.memory_space<vmem_shared>>
    %dma_start3A_98 = arith.constant 0 : i32
    %dma_start3A_99 = arith.constant 0 : i32
    %dma_start3A_100 = tpu.memref_slice %dma_start3A_97[%dma_start3A_89, %dma_start3A_98, %dma_start3A_99] : memref<6x4x4096xf32, #tpu.memory_space<vmem_shared>> -> memref<1x4x4096xf32, #tpu.memory_space<vmem_shared>>
    %dma_start3A_101 = tpu.memref_squeeze %dma_start3A_100 : memref<1x4x4096xf32, #tpu.memory_space<vmem_shared>> -> memref<4x4096xf32, #tpu.memory_space<vmem_shared>>
    %dma_start3A_102 = arith.constant 0 : i32
    %dma_start3A_103 = tpu.memref_slice %arg2[%add3A_88, %dma_start3A_102] : memref<8192x4096xf32, #tpu.memory_space<hbm>> -> memref<4x4096xf32, #tpu.memory_space<hbm>>
    tpu.enqueue_dma source(%dma_start3A_103 : memref<4x4096xf32, #tpu.memory_space<hbm>>) target(%dma_start3A_101 : memref<4x4096xf32, #tpu.memory_space<vmem_shared>>) target_semaphore(%dma_start3A_92 : memref<!tpu.dma_semaphore, #tpu.memory_space<semaphore_mem>>)
    %add3A_104 = arith.constant 0 : i32
    %add3A_105 = arith.addi %mul3A_2, %add3A_104 : i32
    %dma_wait3A = arith.constant 0 : i32
    %dma_wait3A_106 = arith.constant 0 : i32
    %dma_wait3A_107 = tpu.memref_slice %arg5[%dma_wait3A_106] : memref<6x!tpu.dma_semaphore, #tpu.memory_space<semaphore_mem>> -> memref<1x!tpu.dma_semaphore, #tpu.memory_space<semaphore_mem>>
    %dma_wait3A_108 = tpu.memref_squeeze %dma_wait3A_107 : memref<1x!tpu.dma_semaphore, #tpu.memory_space<semaphore_mem>> -> memref<!tpu.dma_semaphore, #tpu.memory_space<semaphore_mem>>
    %dma_wait3A_109 = arith.constant 0 : i32
    %dma_wait3A_110 = arith.constant 0 : i32
    %dma_wait3A_111 = arith.constant 0 : i32
    %dma_wait3A_112 = tpu.memref_slice %arg4[%arg1, %dma_wait3A_109, %dma_wait3A_110, %dma_wait3A_111] : memref<16x6x4x4096xf32, #tpu.memory_space<vmem_shared>> -> memref<1x6x4x4096xf32, #tpu.memory_space<vmem_shared>>
    %dma_wait3A_113 = tpu.memref_squeeze %dma_wait3A_112 : memref<1x6x4x4096xf32, #tpu.memory_space<vmem_shared>> -> memref<6x4x4096xf32, #tpu.memory_space<vmem_shared>>
    %dma_wait3A_114 = arith.constant 0 : i32
    %dma_wait3A_115 = arith.constant 0 : i32
    %dma_wait3A_116 = tpu.memref_slice %dma_wait3A_113[%dma_wait3A, %dma_wait3A_114, %dma_wait3A_115] : memref<6x4x4096xf32, #tpu.memory_space<vmem_shared>> -> memref<1x4x4096xf32, #tpu.memory_space<vmem_shared>>
    %dma_wait3A_117 = tpu.memref_squeeze %dma_wait3A_116 : memref<1x4x4096xf32, #tpu.memory_space<vmem_shared>> -> memref<4x4096xf32, #tpu.memory_space<vmem_shared>>
    %dma_wait3A_118 = arith.constant 0 : i32
    %dma_wait3A_119 = tpu.memref_slice %arg2[%add3A_105, %dma_wait3A_118] : memref<8192x4096xf32, #tpu.memory_space<hbm>> -> memref<4x4096xf32, #tpu.memory_space<hbm>>
    tpu.wait_dma2 semaphore(%dma_wait3A_108 : memref<!tpu.dma_semaphore, #tpu.memory_space<semaphore_mem>>) src(%dma_wait3A_119 : memref<4x4096xf32, #tpu.memory_space<hbm>>) dst(%dma_wait3A_117 : memref<4x4096xf32, #tpu.memory_space<vmem_shared>>)
    %add3A_120 = arith.constant 0 : i32
    %add3A_121 = arith.addi %mul3A_2, %add3A_120 : i32
    %dma_start3A_122 = arith.constant 0 : i32
    %dma_start3A_123 = arith.constant 0 : i32
    %dma_start3A_124 = tpu.memref_slice %arg6[%dma_start3A_123] : memref<6x!tpu.dma_semaphore, #tpu.memory_space<semaphore_mem>> -> memref<1x!tpu.dma_semaphore, #tpu.memory_space<semaphore_mem>>
    %dma_start3A_125 = tpu.memref_squeeze %dma_start3A_124 : memref<1x!tpu.dma_semaphore, #tpu.memory_space<semaphore_mem>> -> memref<!tpu.dma_semaphore, #tpu.memory_space<semaphore_mem>>
    %dma_start3A_126 = arith.constant 0 : i32
    %dma_start3A_127 = tpu.memref_slice %arg3[%add3A_121, %dma_start3A_126] : memref<8192x4096xf32, #tpu.memory_space<hbm>> -> memref<4x4096xf32, #tpu.memory_space<hbm>>
    %dma_start3A_128 = arith.constant 0 : i32
    %dma_start3A_129 = arith.constant 0 : i32
    %dma_start3A_130 = arith.constant 0 : i32
    %dma_start3A_131 = tpu.memref_slice %arg4[%arg1, %dma_start3A_128, %dma_start3A_129, %dma_start3A_130] : memref<16x6x4x4096xf32, #tpu.memory_space<vmem_shared>> -> memref<1x6x4x4096xf32, #tpu.memory_space<vmem_shared>>
    %dma_start3A_132 = tpu.memref_squeeze %dma_start3A_131 : memref<1x6x4x4096xf32, #tpu.memory_space<vmem_shared>> -> memref<6x4x4096xf32, #tpu.memory_space<vmem_shared>>
    %dma_start3A_133 = arith.constant 0 : i32
    %dma_start3A_134 = arith.constant 0 : i32
    %dma_start3A_135 = tpu.memref_slice %dma_start3A_132[%dma_start3A_122, %dma_start3A_133, %dma_start3A_134] : memref<6x4x4096xf32, #tpu.memory_space<vmem_shared>> -> memref<1x4x4096xf32, #tpu.memory_space<vmem_shared>>
    %dma_start3A_136 = tpu.memref_squeeze %dma_start3A_135 : memref<1x4x4096xf32, #tpu.memory_space<vmem_shared>> -> memref<4x4096xf32, #tpu.memory_space<vmem_shared>>
    tpu.enqueue_dma source(%dma_start3A_136 : memref<4x4096xf32, #tpu.memory_space<vmem_shared>>) target(%dma_start3A_127 : memref<4x4096xf32, #tpu.memory_space<hbm>>) target_semaphore(%dma_start3A_125 : memref<!tpu.dma_semaphore, #tpu.memory_space<semaphore_mem>>)
    %add3A_137 = arith.constant 4 : i32
    %add3A_138 = arith.addi %mul3A_2, %add3A_137 : i32
    %dma_wait3A_139 = arith.constant 1 : i32
    %dma_wait3A_140 = arith.constant 1 : i32
    %dma_wait3A_141 = tpu.memref_slice %arg5[%dma_wait3A_140] : memref<6x!tpu.dma_semaphore, #tpu.memory_space<semaphore_mem>> -> memref<1x!tpu.dma_semaphore, #tpu.memory_space<semaphore_mem>>
    %dma_wait3A_142 = tpu.memref_squeeze %dma_wait3A_141 : memref<1x!tpu.dma_semaphore, #tpu.memory_space<semaphore_mem>> -> memref<!tpu.dma_semaphore, #tpu.memory_space<semaphore_mem>>
    %dma_wait3A_143 = arith.constant 0 : i32
    %dma_wait3A_144 = arith.constant 0 : i32
    %dma_wait3A_145 = arith.constant 0 : i32
    %dma_wait3A_146 = tpu.memref_slice %arg4[%arg1, %dma_wait3A_143, %dma_wait3A_144, %dma_wait3A_145] : memref<16x6x4x4096xf32, #tpu.memory_space<vmem_shared>> -> memref<1x6x4x4096xf32, #tpu.memory_space<vmem_shared>>
    %dma_wait3A_147 = tpu.memref_squeeze %dma_wait3A_146 : memref<1x6x4x4096xf32, #tpu.memory_space<vmem_shared>> -> memref<6x4x4096xf32, #tpu.memory_space<vmem_shared>>
    %dma_wait3A_148 = arith.constant 0 : i32
    %dma_wait3A_149 = arith.constant 0 : i32
    %dma_wait3A_150 = tpu.memref_slice %dma_wait3A_147[%dma_wait3A_139, %dma_wait3A_148, %dma_wait3A_149] : memref<6x4x4096xf32, #tpu.memory_space<vmem_shared>> -> memref<1x4x4096xf32, #tpu.memory_space<vmem_shared>>
    %dma_wait3A_151 = tpu.memref_squeeze %dma_wait3A_150 : memref<1x4x4096xf32, #tpu.memory_space<vmem_shared>> -> memref<4x4096xf32, #tpu.memory_space<vmem_shared>>
    %dma_wait3A_152 = arith.constant 0 : i32
    %dma_wait3A_153 = tpu.memref_slice %arg2[%add3A_138, %dma_wait3A_152] : memref<8192x4096xf32, #tpu.memory_space<hbm>> -> memref<4x4096xf32, #tpu.memory_space<hbm>>
    tpu.wait_dma2 semaphore(%dma_wait3A_142 : memref<!tpu.dma_semaphore, #tpu.memory_space<semaphore_mem>>) src(%dma_wait3A_153 : memref<4x4096xf32, #tpu.memory_space<hbm>>) dst(%dma_wait3A_151 : memref<4x4096xf32, #tpu.memory_space<vmem_shared>>)
    %add3A_154 = arith.constant 4 : i32
    %add3A_155 = arith.addi %mul3A_2, %add3A_154 : i32
    %dma_start3A_156 = arith.constant 1 : i32
    %dma_start3A_157 = arith.constant 1 : i32
    %dma_start3A_158 = tpu.memref_slice %arg6[%dma_start3A_157] : memref<6x!tpu.dma_semaphore, #tpu.memory_space<semaphore_mem>> -> memref<1x!tpu.dma_semaphore, #tpu.memory_space<semaphore_mem>>
    %dma_start3A_159 = tpu.memref_squeeze %dma_start3A_158 : memref<1x!tpu.dma_semaphore, #tpu.memory_space<semaphore_mem>> -> memref<!tpu.dma_semaphore, #tpu.memory_space<semaphore_mem>>
    %dma_start3A_160 = arith.constant 0 : i32
    %dma_start3A_161 = tpu.memref_slice %arg3[%add3A_155, %dma_start3A_160] : memref<8192x4096xf32, #tpu.memory_space<hbm>> -> memref<4x4096xf32, #tpu.memory_space<hbm>>
    %dma_start3A_162 = arith.constant 0 : i32
    %dma_start3A_163 = arith.constant 0 : i32
    %dma_start3A_164 = arith.constant 0 : i32
    %dma_start3A_165 = tpu.memref_slice %arg4[%arg1, %dma_start3A_162, %dma_start3A_163, %dma_start3A_164] : memref<16x6x4x4096xf32, #tpu.memory_space<vmem_shared>> -> memref<1x6x4x4096xf32, #tpu.memory_space<vmem_shared>>
    %dma_start3A_166 = tpu.memref_squeeze %dma_start3A_165 : memref<1x6x4x4096xf32, #tpu.memory_space<vmem_shared>> -> memref<6x4x4096xf32, #tpu.memory_space<vmem_shared>>
    %dma_start3A_167 = arith.constant 0 : i32
    %dma_start3A_168 = arith.constant 0 : i32
    %dma_start3A_169 = tpu.memref_slice %dma_start3A_166[%dma_start3A_156, %dma_start3A_167, %dma_start3A_168] : memref<6x4x4096xf32, #tpu.memory_space<vmem_shared>> -> memref<1x4x4096xf32, #tpu.memory_space<vmem_shared>>
    %dma_start3A_170 = tpu.memref_squeeze %dma_start3A_169 : memref<1x4x4096xf32, #tpu.memory_space<vmem_shared>> -> memref<4x4096xf32, #tpu.memory_space<vmem_shared>>
    tpu.enqueue_dma source(%dma_start3A_170 : memref<4x4096xf32, #tpu.memory_space<vmem_shared>>) target(%dma_start3A_161 : memref<4x4096xf32, #tpu.memory_space<hbm>>) target_semaphore(%dma_start3A_159 : memref<!tpu.dma_semaphore, #tpu.memory_space<semaphore_mem>>)
    %add3A_171 = arith.constant 8 : i32
    %add3A_172 = arith.addi %mul3A_2, %add3A_171 : i32
    %dma_wait3A_173 = arith.constant 2 : i32
    %dma_wait3A_174 = arith.constant 2 : i32
    %dma_wait3A_175 = tpu.memref_slice %arg5[%dma_wait3A_174] : memref<6x!tpu.dma_semaphore, #tpu.memory_space<semaphore_mem>> -> memref<1x!tpu.dma_semaphore, #tpu.memory_space<semaphore_mem>>
    %dma_wait3A_176 = tpu.memref_squeeze %dma_wait3A_175 : memref<1x!tpu.dma_semaphore, #tpu.memory_space<semaphore_mem>> -> memref<!tpu.dma_semaphore, #tpu.memory_space<semaphore_mem>>
    %dma_wait3A_177 = arith.constant 0 : i32
    %dma_wait3A_178 = arith.constant 0 : i32
    %dma_wait3A_179 = arith.constant 0 : i32
    %dma_wait3A_180 = tpu.memref_slice %arg4[%arg1, %dma_wait3A_177, %dma_wait3A_178, %dma_wait3A_179] : memref<16x6x4x4096xf32, #tpu.memory_space<vmem_shared>> -> memref<1x6x4x4096xf32, #tpu.memory_space<vmem_shared>>
    %dma_wait3A_181 = tpu.memref_squeeze %dma_wait3A_180 : memref<1x6x4x4096xf32, #tpu.memory_space<vmem_shared>> -> memref<6x4x4096xf32, #tpu.memory_space<vmem_shared>>
    %dma_wait3A_182 = arith.constant 0 : i32
    %dma_wait3A_183 = arith.constant 0 : i32
    %dma_wait3A_184 = tpu.memref_slice %dma_wait3A_181[%dma_wait3A_173, %dma_wait3A_182, %dma_wait3A_183] : memref<6x4x4096xf32, #tpu.memory_space<vmem_shared>> -> memref<1x4x4096xf32, #tpu.memory_space<vmem_shared>>
    %dma_wait3A_185 = tpu.memref_squeeze %dma_wait3A_184 : memref<1x4x4096xf32, #tpu.memory_space<vmem_shared>> -> memref<4x4096xf32, #tpu.memory_space<vmem_shared>>
    %dma_wait3A_186 = arith.constant 0 : i32
    %dma_wait3A_187 = tpu.memref_slice %arg2[%add3A_172, %dma_wait3A_186] : memref<8192x4096xf32, #tpu.memory_space<hbm>> -> memref<4x4096xf32, #tpu.memory_space<hbm>>
    tpu.wait_dma2 semaphore(%dma_wait3A_176 : memref<!tpu.dma_semaphore, #tpu.memory_space<semaphore_mem>>) src(%dma_wait3A_187 : memref<4x4096xf32, #tpu.memory_space<hbm>>) dst(%dma_wait3A_185 : memref<4x4096xf32, #tpu.memory_space<vmem_shared>>)
    %add3A_188 = arith.constant 8 : i32
    %add3A_189 = arith.addi %mul3A_2, %add3A_188 : i32
    %dma_start3A_190 = arith.constant 2 : i32
    %dma_start3A_191 = arith.constant 2 : i32
    %dma_start3A_192 = tpu.memref_slice %arg6[%dma_start3A_191] : memref<6x!tpu.dma_semaphore, #tpu.memory_space<semaphore_mem>> -> memref<1x!tpu.dma_semaphore, #tpu.memory_space<semaphore_mem>>
    %dma_start3A_193 = tpu.memref_squeeze %dma_start3A_192 : memref<1x!tpu.dma_semaphore, #tpu.memory_space<semaphore_mem>> -> memref<!tpu.dma_semaphore, #tpu.memory_space<semaphore_mem>>
    %dma_start3A_194 = arith.constant 0 : i32
    %dma_start3A_195 = tpu.memref_slice %arg3[%add3A_189, %dma_start3A_194] : memref<8192x4096xf32, #tpu.memory_space<hbm>> -> memref<4x4096xf32, #tpu.memory_space<hbm>>
    %dma_start3A_196 = arith.constant 0 : i32
    %dma_start3A_197 = arith.constant 0 : i32
    %dma_start3A_198 = arith.constant 0 : i32
    %dma_start3A_199 = tpu.memref_slice %arg4[%arg1, %dma_start3A_196, %dma_start3A_197, %dma_start3A_198] : memref<16x6x4x4096xf32, #tpu.memory_space<vmem_shared>> -> memref<1x6x4x4096xf32, #tpu.memory_space<vmem_shared>>
    %dma_start3A_200 = tpu.memref_squeeze %dma_start3A_199 : memref<1x6x4x4096xf32, #tpu.memory_space<vmem_shared>> -> memref<6x4x4096xf32, #tpu.memory_space<vmem_shared>>
    %dma_start3A_201 = arith.constant 0 : i32
    %dma_start3A_202 = arith.constant 0 : i32
    %dma_start3A_203 = tpu.memref_slice %dma_start3A_200[%dma_start3A_190, %dma_start3A_201, %dma_start3A_202] : memref<6x4x4096xf32, #tpu.memory_space<vmem_shared>> -> memref<1x4x4096xf32, #tpu.memory_space<vmem_shared>>
    %dma_start3A_204 = tpu.memref_squeeze %dma_start3A_203 : memref<1x4x4096xf32, #tpu.memory_space<vmem_shared>> -> memref<4x4096xf32, #tpu.memory_space<vmem_shared>>
    tpu.enqueue_dma source(%dma_start3A_204 : memref<4x4096xf32, #tpu.memory_space<vmem_shared>>) target(%dma_start3A_195 : memref<4x4096xf32, #tpu.memory_space<hbm>>) target_semaphore(%dma_start3A_193 : memref<!tpu.dma_semaphore, #tpu.memory_space<semaphore_mem>>)
    %scan3A = arith.constant 0 : i32
    %scan3A_205 = arith.constant 3 : i32
    %scan3A_206 = arith.constant 58 : i32
    %scan3A_207 = arith.addi %scan3A_205, %scan3A_206 : i32
    %scan3A_208 = arith.constant 1 : i32
    scf.for %scan3A_414 = %scan3A_205 to %scan3A_207 step %scan3A_208  : i32 {
      %jit3A = arith.constant 6 : i32
      %eq3A = arith.constant 0 : i32
      %eq3A_415 = arith.cmpi eq, %jit3A, %eq3A : i32
      %jit3A_416 = arith.constant 1 : i32
      %select_n3A = arith.select %eq3A_415, %jit3A_416, %jit3A : i32
      %rem3A = arith.remsi %scan3A_414, %select_n3A : i32
      %ne3A = arith.constant 0 : i32
      %ne3A_417 = arith.cmpi ne, %rem3A, %ne3A : i32
      %lt3A = arith.constant 0 : i32
      %lt3A_418 = arith.cmpi slt, %rem3A, %lt3A : i32
      %lt3A_419 = arith.constant 0 : i32
      %lt3A_420 = arith.cmpi slt, %select_n3A, %lt3A_419 : i32
      %ne3A_421 = arith.xori %lt3A_418, %lt3A_420 : i1
      %and3A = arith.andi %ne3A_421, %ne3A_417 : i1
      %add3A_422 = arith.addi %rem3A, %select_n3A : i32
      %select_n3A_423 = arith.select %and3A, %add3A_422, %rem3A : i32
      %mul3A_424 = arith.constant 4 : i32
      %mul3A_425 = arith.muli %scan3A_414, %mul3A_424 : i32
      %add3A_426 = arith.addi %mul3A_2, %mul3A_425 : i32
      %dma_wait3A_427 = tpu.memref_slice %arg5[%select_n3A_423] : memref<6x!tpu.dma_semaphore, #tpu.memory_space<semaphore_mem>> -> memref<1x!tpu.dma_semaphore, #tpu.memory_space<semaphore_mem>>
      %dma_wait3A_428 = tpu.memref_squeeze %dma_wait3A_427 : memref<1x!tpu.dma_semaphore, #tpu.memory_space<semaphore_mem>> -> memref<!tpu.dma_semaphore, #tpu.memory_space<semaphore_mem>>
      %dma_wait3A_429 = arith.constant 0 : i32
      %dma_wait3A_430 = arith.constant 0 : i32
      %dma_wait3A_431 = arith.constant 0 : i32
      %dma_wait3A_432 = tpu.memref_slice %arg4[%arg1, %dma_wait3A_429, %dma_wait3A_430, %dma_wait3A_431] : memref<16x6x4x4096xf32, #tpu.memory_space<vmem_shared>> -> memref<1x6x4x4096xf32, #tpu.memory_space<vmem_shared>>
      %dma_wait3A_433 = tpu.memref_squeeze %dma_wait3A_432 : memref<1x6x4x4096xf32, #tpu.memory_space<vmem_shared>> -> memref<6x4x4096xf32, #tpu.memory_space<vmem_shared>>
      %dma_wait3A_434 = arith.constant 0 : i32
      %dma_wait3A_435 = arith.constant 0 : i32
      %dma_wait3A_436 = tpu.memref_slice %dma_wait3A_433[%select_n3A_423, %dma_wait3A_434, %dma_wait3A_435] : memref<6x4x4096xf32, #tpu.memory_space<vmem_shared>> -> memref<1x4x4096xf32, #tpu.memory_space<vmem_shared>>
      %dma_wait3A_437 = tpu.memref_squeeze %dma_wait3A_436 : memref<1x4x4096xf32, #tpu.memory_space<vmem_shared>> -> memref<4x4096xf32, #tpu.memory_space<vmem_shared>>
      %dma_wait3A_438 = arith.constant 0 : i32
      %dma_wait3A_439 = tpu.memref_slice %arg2[%add3A_426, %dma_wait3A_438] : memref<8192x4096xf32, #tpu.memory_space<hbm>> -> memref<4x4096xf32, #tpu.memory_space<hbm>>
      tpu.wait_dma2 semaphore(%dma_wait3A_428 : memref<!tpu.dma_semaphore, #tpu.memory_space<semaphore_mem>>) src(%dma_wait3A_439 : memref<4x4096xf32, #tpu.memory_space<hbm>>) dst(%dma_wait3A_437 : memref<4x4096xf32, #tpu.memory_space<vmem_shared>>)
      %mul3A_440 = arith.constant 4 : i32
      %mul3A_441 = arith.muli %scan3A_414, %mul3A_440 : i32
      %add3A_442 = arith.addi %mul3A_2, %mul3A_441 : i32
      %dma_start3A_443 = tpu.memref_slice %arg6[%select_n3A_423] : memref<6x!tpu.dma_semaphore, #tpu.memory_space<semaphore_mem>> -> memref<1x!tpu.dma_semaphore, #tpu.memory_space<semaphore_mem>>
      %dma_start3A_444 = tpu.memref_squeeze %dma_start3A_443 : memref<1x!tpu.dma_semaphore, #tpu.memory_space<semaphore_mem>> -> memref<!tpu.dma_semaphore, #tpu.memory_space<semaphore_mem>>
      %dma_start3A_445 = arith.constant 0 : i32
      %dma_start3A_446 = tpu.memref_slice %arg3[%add3A_442, %dma_start3A_445] : memref<8192x4096xf32, #tpu.memory_space<hbm>> -> memref<4x4096xf32, #tpu.memory_space<hbm>>
      %dma_start3A_447 = arith.constant 0 : i32
      %dma_start3A_448 = arith.constant 0 : i32
      %dma_start3A_449 = arith.constant 0 : i32
      %dma_start3A_450 = tpu.memref_slice %arg4[%arg1, %dma_start3A_447, %dma_start3A_448, %dma_start3A_449] : memref<16x6x4x4096xf32, #tpu.memory_space<vmem_shared>> -> memref<1x6x4x4096xf32, #tpu.memory_space<vmem_shared>>
      %dma_start3A_451 = tpu.memref_squeeze %dma_start3A_450 : memref<1x6x4x4096xf32, #tpu.memory_space<vmem_shared>> -> memref<6x4x4096xf32, #tpu.memory_space<vmem_shared>>
      %dma_start3A_452 = arith.constant 0 : i32
      %dma_start3A_453 = arith.constant 0 : i32
      %dma_start3A_454 = tpu.memref_slice %dma_start3A_451[%select_n3A_423, %dma_start3A_452, %dma_start3A_453] : memref<6x4x4096xf32, #tpu.memory_space<vmem_shared>> -> memref<1x4x4096xf32, #tpu.memory_space<vmem_shared>>
      %dma_start3A_455 = tpu.memref_squeeze %dma_start3A_454 : memref<1x4x4096xf32, #tpu.memory_space<vmem_shared>> -> memref<4x4096xf32, #tpu.memory_space<vmem_shared>>
      tpu.enqueue_dma source(%dma_start3A_455 : memref<4x4096xf32, #tpu.memory_space<vmem_shared>>) target(%dma_start3A_446 : memref<4x4096xf32, #tpu.memory_space<hbm>>) target_semaphore(%dma_start3A_444 : memref<!tpu.dma_semaphore, #tpu.memory_space<semaphore_mem>>)
      %sub3A = arith.constant 3 : i32
      %sub3A_456 = arith.subi %scan3A_414, %sub3A : i32
      %jit3A_457 = arith.constant 6 : i32
      %eq3A_458 = arith.constant 0 : i32
      %eq3A_459 = arith.cmpi eq, %jit3A_457, %eq3A_458 : i32
      %jit3A_460 = arith.constant 1 : i32
      %select_n3A_461 = arith.select %eq3A_459, %jit3A_460, %jit3A_457 : i32
      %rem3A_462 = arith.remsi %sub3A_456, %select_n3A_461 : i32
      %ne3A_463 = arith.constant 0 : i32
      %ne3A_464 = arith.cmpi ne, %rem3A_462, %ne3A_463 : i32
      %lt3A_465 = arith.constant 0 : i32
      %lt3A_466 = arith.cmpi slt, %rem3A_462, %lt3A_465 : i32
      %lt3A_467 = arith.constant 0 : i32
      %lt3A_468 = arith.cmpi slt, %select_n3A_461, %lt3A_467 : i32
      %ne3A_469 = arith.xori %lt3A_466, %lt3A_468 : i1
      %and3A_470 = arith.andi %ne3A_469, %ne3A_464 : i1
      %add3A_471 = arith.addi %rem3A_462, %select_n3A_461 : i32
      %select_n3A_472 = arith.select %and3A_470, %add3A_471, %rem3A_462 : i32
      %mul3A_473 = arith.constant 4 : i32
      %mul3A_474 = arith.muli %sub3A_456, %mul3A_473 : i32
      %add3A_475 = arith.addi %mul3A_2, %mul3A_474 : i32
      %dma_wait3A_476 = tpu.memref_slice %arg6[%select_n3A_472] : memref<6x!tpu.dma_semaphore, #tpu.memory_space<semaphore_mem>> -> memref<1x!tpu.dma_semaphore, #tpu.memory_space<semaphore_mem>>
      %dma_wait3A_477 = tpu.memref_squeeze %dma_wait3A_476 : memref<1x!tpu.dma_semaphore, #tpu.memory_space<semaphore_mem>> -> memref<!tpu.dma_semaphore, #tpu.memory_space<semaphore_mem>>
      %dma_wait3A_478 = arith.constant 0 : i32
      %dma_wait3A_479 = tpu.memref_slice %arg3[%add3A_475, %dma_wait3A_478] : memref<8192x4096xf32, #tpu.memory_space<hbm>> -> memref<4x4096xf32, #tpu.memory_space<hbm>>
      %dma_wait3A_480 = arith.constant 0 : i32
      %dma_wait3A_481 = arith.constant 0 : i32
      %dma_wait3A_482 = arith.constant 0 : i32
      %dma_wait3A_483 = tpu.memref_slice %arg4[%arg1, %dma_wait3A_480, %dma_wait3A_481, %dma_wait3A_482] : memref<16x6x4x4096xf32, #tpu.memory_space<vmem_shared>> -> memref<1x6x4x4096xf32, #tpu.memory_space<vmem_shared>>
      %dma_wait3A_484 = tpu.memref_squeeze %dma_wait3A_483 : memref<1x6x4x4096xf32, #tpu.memory_space<vmem_shared>> -> memref<6x4x4096xf32, #tpu.memory_space<vmem_shared>>
      %dma_wait3A_485 = arith.constant 0 : i32
      %dma_wait3A_486 = arith.constant 0 : i32
      %dma_wait3A_487 = tpu.memref_slice %dma_wait3A_484[%select_n3A_472, %dma_wait3A_485, %dma_wait3A_486] : memref<6x4x4096xf32, #tpu.memory_space<vmem_shared>> -> memref<1x4x4096xf32, #tpu.memory_space<vmem_shared>>
      %dma_wait3A_488 = tpu.memref_squeeze %dma_wait3A_487 : memref<1x4x4096xf32, #tpu.memory_space<vmem_shared>> -> memref<4x4096xf32, #tpu.memory_space<vmem_shared>>
      tpu.wait_dma2 semaphore(%dma_wait3A_477 : memref<!tpu.dma_semaphore, #tpu.memory_space<semaphore_mem>>) src(%dma_wait3A_488 : memref<4x4096xf32, #tpu.memory_space<vmem_shared>>) dst(%dma_wait3A_479 : memref<4x4096xf32, #tpu.memory_space<hbm>>)
      %add3A_489 = arith.constant 6 : i32
      %add3A_490 = arith.addi %sub3A_456, %add3A_489 : i32
      %mul3A_491 = arith.constant 4 : i32
      %mul3A_492 = arith.muli %add3A_490, %mul3A_491 : i32
      %add3A_493 = arith.addi %mul3A_2, %mul3A_492 : i32
      %dma_start3A_494 = tpu.memref_slice %arg5[%select_n3A_472] : memref<6x!tpu.dma_semaphore, #tpu.memory_space<semaphore_mem>> -> memref<1x!tpu.dma_semaphore, #tpu.memory_space<semaphore_mem>>
      %dma_start3A_495 = tpu.memref_squeeze %dma_start3A_494 : memref<1x!tpu.dma_semaphore, #tpu.memory_space<semaphore_mem>> -> memref<!tpu.dma_semaphore, #tpu.memory_space<semaphore_mem>>
      %dma_start3A_496 = arith.constant 0 : i32
      %dma_start3A_497 = arith.constant 0 : i32
      %dma_start3A_498 = arith.constant 0 : i32
      %dma_start3A_499 = tpu.memref_slice %arg4[%arg1, %dma_start3A_496, %dma_start3A_497, %dma_start3A_498] : memref<16x6x4x4096xf32, #tpu.memory_space<vmem_shared>> -> memref<1x6x4x4096xf32, #tpu.memory_space<vmem_shared>>
      %dma_start3A_500 = tpu.memref_squeeze %dma_start3A_499 : memref<1x6x4x4096xf32, #tpu.memory_space<vmem_shared>> -> memref<6x4x4096xf32, #tpu.memory_space<vmem_shared>>
      %dma_start3A_501 = arith.constant 0 : i32
      %dma_start3A_502 = arith.constant 0 : i32
      %dma_start3A_503 = tpu.memref_slice %dma_start3A_500[%select_n3A_472, %dma_start3A_501, %dma_start3A_502] : memref<6x4x4096xf32, #tpu.memory_space<vmem_shared>> -> memref<1x4x4096xf32, #tpu.memory_space<vmem_shared>>
      %dma_start3A_504 = tpu.memref_squeeze %dma_start3A_503 : memref<1x4x4096xf32, #tpu.memory_space<vmem_shared>> -> memref<4x4096xf32, #tpu.memory_space<vmem_shared>>
      %dma_start3A_505 = arith.constant 0 : i32
      %dma_start3A_506 = tpu.memref_slice %arg2[%add3A_493, %dma_start3A_505] : memref<8192x4096xf32, #tpu.memory_space<hbm>> -> memref<4x4096xf32, #tpu.memory_space<hbm>>
      tpu.enqueue_dma source(%dma_start3A_506 : memref<4x4096xf32, #tpu.memory_space<hbm>>) target(%dma_start3A_504 : memref<4x4096xf32, #tpu.memory_space<vmem_shared>>) target_semaphore(%dma_start3A_495 : memref<!tpu.dma_semaphore, #tpu.memory_space<semaphore_mem>>)
    }
    %scan3A_209 = arith.constant 58 : i32
    %add3A_210 = arith.constant 244 : i32
    %add3A_211 = arith.addi %mul3A_2, %add3A_210 : i32
    %dma_wait3A_212 = arith.constant 1 : i32
    %dma_wait3A_213 = arith.constant 1 : i32
    %dma_wait3A_214 = tpu.memref_slice %arg5[%dma_wait3A_213] : memref<6x!tpu.dma_semaphore, #tpu.memory_space<semaphore_mem>> -> memref<1x!tpu.dma_semaphore, #tpu.memory_space<semaphore_mem>>
    %dma_wait3A_215 = tpu.memref_squeeze %dma_wait3A_214 : memref<1x!tpu.dma_semaphore, #tpu.memory_space<semaphore_mem>> -> memref<!tpu.dma_semaphore, #tpu.memory_space<semaphore_mem>>
    %dma_wait3A_216 = arith.constant 0 : i32
    %dma_wait3A_217 = arith.constant 0 : i32
    %dma_wait3A_218 = arith.constant 0 : i32
    %dma_wait3A_219 = tpu.memref_slice %arg4[%arg1, %dma_wait3A_216, %dma_wait3A_217, %dma_wait3A_218] : memref<16x6x4x4096xf32, #tpu.memory_space<vmem_shared>> -> memref<1x6x4x4096xf32, #tpu.memory_space<vmem_shared>>
    %dma_wait3A_220 = tpu.memref_squeeze %dma_wait3A_219 : memref<1x6x4x4096xf32, #tpu.memory_space<vmem_shared>> -> memref<6x4x4096xf32, #tpu.memory_space<vmem_shared>>
    %dma_wait3A_221 = arith.constant 0 : i32
    %dma_wait3A_222 = arith.constant 0 : i32
    %dma_wait3A_223 = tpu.memref_slice %dma_wait3A_220[%dma_wait3A_212, %dma_wait3A_221, %dma_wait3A_222] : memref<6x4x4096xf32, #tpu.memory_space<vmem_shared>> -> memref<1x4x4096xf32, #tpu.memory_space<vmem_shared>>
    %dma_wait3A_224 = tpu.memref_squeeze %dma_wait3A_223 : memref<1x4x4096xf32, #tpu.memory_space<vmem_shared>> -> memref<4x4096xf32, #tpu.memory_space<vmem_shared>>
    %dma_wait3A_225 = arith.constant 0 : i32
    %dma_wait3A_226 = tpu.memref_slice %arg2[%add3A_211, %dma_wait3A_225] : memref<8192x4096xf32, #tpu.memory_space<hbm>> -> memref<4x4096xf32, #tpu.memory_space<hbm>>
    tpu.wait_dma2 semaphore(%dma_wait3A_215 : memref<!tpu.dma_semaphore, #tpu.memory_space<semaphore_mem>>) src(%dma_wait3A_226 : memref<4x4096xf32, #tpu.memory_space<hbm>>) dst(%dma_wait3A_224 : memref<4x4096xf32, #tpu.memory_space<vmem_shared>>)
    %add3A_227 = arith.constant 244 : i32
    %add3A_228 = arith.addi %mul3A_2, %add3A_227 : i32
    %dma_start3A_229 = arith.constant 1 : i32
    %dma_start3A_230 = arith.constant 1 : i32
    %dma_start3A_231 = tpu.memref_slice %arg6[%dma_start3A_230] : memref<6x!tpu.dma_semaphore, #tpu.memory_space<semaphore_mem>> -> memref<1x!tpu.dma_semaphore, #tpu.memory_space<semaphore_mem>>
    %dma_start3A_232 = tpu.memref_squeeze %dma_start3A_231 : memref<1x!tpu.dma_semaphore, #tpu.memory_space<semaphore_mem>> -> memref<!tpu.dma_semaphore, #tpu.memory_space<semaphore_mem>>
    %dma_start3A_233 = arith.constant 0 : i32
    %dma_start3A_234 = tpu.memref_slice %arg3[%add3A_228, %dma_start3A_233] : memref<8192x4096xf32, #tpu.memory_space<hbm>> -> memref<4x4096xf32, #tpu.memory_space<hbm>>
    %dma_start3A_235 = arith.constant 0 : i32
    %dma_start3A_236 = arith.constant 0 : i32
    %dma_start3A_237 = arith.constant 0 : i32
    %dma_start3A_238 = tpu.memref_slice %arg4[%arg1, %dma_start3A_235, %dma_start3A_236, %dma_start3A_237] : memref<16x6x4x4096xf32, #tpu.memory_space<vmem_shared>> -> memref<1x6x4x4096xf32, #tpu.memory_space<vmem_shared>>
    %dma_start3A_239 = tpu.memref_squeeze %dma_start3A_238 : memref<1x6x4x4096xf32, #tpu.memory_space<vmem_shared>> -> memref<6x4x4096xf32, #tpu.memory_space<vmem_shared>>
    %dma_start3A_240 = arith.constant 0 : i32
    %dma_start3A_241 = arith.constant 0 : i32
    %dma_start3A_242 = tpu.memref_slice %dma_start3A_239[%dma_start3A_229, %dma_start3A_240, %dma_start3A_241] : memref<6x4x4096xf32, #tpu.memory_space<vmem_shared>> -> memref<1x4x4096xf32, #tpu.memory_space<vmem_shared>>
    %dma_start3A_243 = tpu.memref_squeeze %dma_start3A_242 : memref<1x4x4096xf32, #tpu.memory_space<vmem_shared>> -> memref<4x4096xf32, #tpu.memory_space<vmem_shared>>
    tpu.enqueue_dma source(%dma_start3A_243 : memref<4x4096xf32, #tpu.memory_space<vmem_shared>>) target(%dma_start3A_234 : memref<4x4096xf32, #tpu.memory_space<hbm>>) target_semaphore(%dma_start3A_232 : memref<!tpu.dma_semaphore, #tpu.memory_space<semaphore_mem>>)
    %add3A_244 = arith.constant 232 : i32
    %add3A_245 = arith.addi %mul3A_2, %add3A_244 : i32
    %dma_wait3A_246 = arith.constant 4 : i32
    %dma_wait3A_247 = arith.constant 4 : i32
    %dma_wait3A_248 = tpu.memref_slice %arg6[%dma_wait3A_247] : memref<6x!tpu.dma_semaphore, #tpu.memory_space<semaphore_mem>> -> memref<1x!tpu.dma_semaphore, #tpu.memory_space<semaphore_mem>>
    %dma_wait3A_249 = tpu.memref_squeeze %dma_wait3A_248 : memref<1x!tpu.dma_semaphore, #tpu.memory_space<semaphore_mem>> -> memref<!tpu.dma_semaphore, #tpu.memory_space<semaphore_mem>>
    %dma_wait3A_250 = arith.constant 0 : i32
    %dma_wait3A_251 = tpu.memref_slice %arg3[%add3A_245, %dma_wait3A_250] : memref<8192x4096xf32, #tpu.memory_space<hbm>> -> memref<4x4096xf32, #tpu.memory_space<hbm>>
    %dma_wait3A_252 = arith.constant 0 : i32
    %dma_wait3A_253 = arith.constant 0 : i32
    %dma_wait3A_254 = arith.constant 0 : i32
    %dma_wait3A_255 = tpu.memref_slice %arg4[%arg1, %dma_wait3A_252, %dma_wait3A_253, %dma_wait3A_254] : memref<16x6x4x4096xf32, #tpu.memory_space<vmem_shared>> -> memref<1x6x4x4096xf32, #tpu.memory_space<vmem_shared>>
    %dma_wait3A_256 = tpu.memref_squeeze %dma_wait3A_255 : memref<1x6x4x4096xf32, #tpu.memory_space<vmem_shared>> -> memref<6x4x4096xf32, #tpu.memory_space<vmem_shared>>
    %dma_wait3A_257 = arith.constant 0 : i32
    %dma_wait3A_258 = arith.constant 0 : i32
    %dma_wait3A_259 = tpu.memref_slice %dma_wait3A_256[%dma_wait3A_246, %dma_wait3A_257, %dma_wait3A_258] : memref<6x4x4096xf32, #tpu.memory_space<vmem_shared>> -> memref<1x4x4096xf32, #tpu.memory_space<vmem_shared>>
    %dma_wait3A_260 = tpu.memref_squeeze %dma_wait3A_259 : memref<1x4x4096xf32, #tpu.memory_space<vmem_shared>> -> memref<4x4096xf32, #tpu.memory_space<vmem_shared>>
    tpu.wait_dma2 semaphore(%dma_wait3A_249 : memref<!tpu.dma_semaphore, #tpu.memory_space<semaphore_mem>>) src(%dma_wait3A_260 : memref<4x4096xf32, #tpu.memory_space<vmem_shared>>) dst(%dma_wait3A_251 : memref<4x4096xf32, #tpu.memory_space<hbm>>)
    %add3A_261 = arith.constant 248 : i32
    %add3A_262 = arith.addi %mul3A_2, %add3A_261 : i32
    %dma_wait3A_263 = arith.constant 2 : i32
    %dma_wait3A_264 = arith.constant 2 : i32
    %dma_wait3A_265 = tpu.memref_slice %arg5[%dma_wait3A_264] : memref<6x!tpu.dma_semaphore, #tpu.memory_space<semaphore_mem>> -> memref<1x!tpu.dma_semaphore, #tpu.memory_space<semaphore_mem>>
    %dma_wait3A_266 = tpu.memref_squeeze %dma_wait3A_265 : memref<1x!tpu.dma_semaphore, #tpu.memory_space<semaphore_mem>> -> memref<!tpu.dma_semaphore, #tpu.memory_space<semaphore_mem>>
    %dma_wait3A_267 = arith.constant 0 : i32
    %dma_wait3A_268 = arith.constant 0 : i32
    %dma_wait3A_269 = arith.constant 0 : i32
    %dma_wait3A_270 = tpu.memref_slice %arg4[%arg1, %dma_wait3A_267, %dma_wait3A_268, %dma_wait3A_269] : memref<16x6x4x4096xf32, #tpu.memory_space<vmem_shared>> -> memref<1x6x4x4096xf32, #tpu.memory_space<vmem_shared>>
    %dma_wait3A_271 = tpu.memref_squeeze %dma_wait3A_270 : memref<1x6x4x4096xf32, #tpu.memory_space<vmem_shared>> -> memref<6x4x4096xf32, #tpu.memory_space<vmem_shared>>
    %dma_wait3A_272 = arith.constant 0 : i32
    %dma_wait3A_273 = arith.constant 0 : i32
    %dma_wait3A_274 = tpu.memref_slice %dma_wait3A_271[%dma_wait3A_263, %dma_wait3A_272, %dma_wait3A_273] : memref<6x4x4096xf32, #tpu.memory_space<vmem_shared>> -> memref<1x4x4096xf32, #tpu.memory_space<vmem_shared>>
    %dma_wait3A_275 = tpu.memref_squeeze %dma_wait3A_274 : memref<1x4x4096xf32, #tpu.memory_space<vmem_shared>> -> memref<4x4096xf32, #tpu.memory_space<vmem_shared>>
    %dma_wait3A_276 = arith.constant 0 : i32
    %dma_wait3A_277 = tpu.memref_slice %arg2[%add3A_262, %dma_wait3A_276] : memref<8192x4096xf32, #tpu.memory_space<hbm>> -> memref<4x4096xf32, #tpu.memory_space<hbm>>
    tpu.wait_dma2 semaphore(%dma_wait3A_266 : memref<!tpu.dma_semaphore, #tpu.memory_space<semaphore_mem>>) src(%dma_wait3A_277 : memref<4x4096xf32, #tpu.memory_space<hbm>>) dst(%dma_wait3A_275 : memref<4x4096xf32, #tpu.memory_space<vmem_shared>>)
    %add3A_278 = arith.constant 248 : i32
    %add3A_279 = arith.addi %mul3A_2, %add3A_278 : i32
    %dma_start3A_280 = arith.constant 2 : i32
    %dma_start3A_281 = arith.constant 2 : i32
    %dma_start3A_282 = tpu.memref_slice %arg6[%dma_start3A_281] : memref<6x!tpu.dma_semaphore, #tpu.memory_space<semaphore_mem>> -> memref<1x!tpu.dma_semaphore, #tpu.memory_space<semaphore_mem>>
    %dma_start3A_283 = tpu.memref_squeeze %dma_start3A_282 : memref<1x!tpu.dma_semaphore, #tpu.memory_space<semaphore_mem>> -> memref<!tpu.dma_semaphore, #tpu.memory_space<semaphore_mem>>
    %dma_start3A_284 = arith.constant 0 : i32
    %dma_start3A_285 = tpu.memref_slice %arg3[%add3A_279, %dma_start3A_284] : memref<8192x4096xf32, #tpu.memory_space<hbm>> -> memref<4x4096xf32, #tpu.memory_space<hbm>>
    %dma_start3A_286 = arith.constant 0 : i32
    %dma_start3A_287 = arith.constant 0 : i32
    %dma_start3A_288 = arith.constant 0 : i32
    %dma_start3A_289 = tpu.memref_slice %arg4[%arg1, %dma_start3A_286, %dma_start3A_287, %dma_start3A_288] : memref<16x6x4x4096xf32, #tpu.memory_space<vmem_shared>> -> memref<1x6x4x4096xf32, #tpu.memory_space<vmem_shared>>
    %dma_start3A_290 = tpu.memref_squeeze %dma_start3A_289 : memref<1x6x4x4096xf32, #tpu.memory_space<vmem_shared>> -> memref<6x4x4096xf32, #tpu.memory_space<vmem_shared>>
    %dma_start3A_291 = arith.constant 0 : i32
    %dma_start3A_292 = arith.constant 0 : i32
    %dma_start3A_293 = tpu.memref_slice %dma_start3A_290[%dma_start3A_280, %dma_start3A_291, %dma_start3A_292] : memref<6x4x4096xf32, #tpu.memory_space<vmem_shared>> -> memref<1x4x4096xf32, #tpu.memory_space<vmem_shared>>
    %dma_start3A_294 = tpu.memref_squeeze %dma_start3A_293 : memref<1x4x4096xf32, #tpu.memory_space<vmem_shared>> -> memref<4x4096xf32, #tpu.memory_space<vmem_shared>>
    tpu.enqueue_dma source(%dma_start3A_294 : memref<4x4096xf32, #tpu.memory_space<vmem_shared>>) target(%dma_start3A_285 : memref<4x4096xf32, #tpu.memory_space<hbm>>) target_semaphore(%dma_start3A_283 : memref<!tpu.dma_semaphore, #tpu.memory_space<semaphore_mem>>)
    %add3A_295 = arith.constant 236 : i32
    %add3A_296 = arith.addi %mul3A_2, %add3A_295 : i32
    %dma_wait3A_297 = arith.constant 5 : i32
    %dma_wait3A_298 = arith.constant 5 : i32
    %dma_wait3A_299 = tpu.memref_slice %arg6[%dma_wait3A_298] : memref<6x!tpu.dma_semaphore, #tpu.memory_space<semaphore_mem>> -> memref<1x!tpu.dma_semaphore, #tpu.memory_space<semaphore_mem>>
    %dma_wait3A_300 = tpu.memref_squeeze %dma_wait3A_299 : memref<1x!tpu.dma_semaphore, #tpu.memory_space<semaphore_mem>> -> memref<!tpu.dma_semaphore, #tpu.memory_space<semaphore_mem>>
    %dma_wait3A_301 = arith.constant 0 : i32
    %dma_wait3A_302 = tpu.memref_slice %arg3[%add3A_296, %dma_wait3A_301] : memref<8192x4096xf32, #tpu.memory_space<hbm>> -> memref<4x4096xf32, #tpu.memory_space<hbm>>
    %dma_wait3A_303 = arith.constant 0 : i32
    %dma_wait3A_304 = arith.constant 0 : i32
    %dma_wait3A_305 = arith.constant 0 : i32
    %dma_wait3A_306 = tpu.memref_slice %arg4[%arg1, %dma_wait3A_303, %dma_wait3A_304, %dma_wait3A_305] : memref<16x6x4x4096xf32, #tpu.memory_space<vmem_shared>> -> memref<1x6x4x4096xf32, #tpu.memory_space<vmem_shared>>
    %dma_wait3A_307 = tpu.memref_squeeze %dma_wait3A_306 : memref<1x6x4x4096xf32, #tpu.memory_space<vmem_shared>> -> memref<6x4x4096xf32, #tpu.memory_space<vmem_shared>>
    %dma_wait3A_308 = arith.constant 0 : i32
    %dma_wait3A_309 = arith.constant 0 : i32
    %dma_wait3A_310 = tpu.memref_slice %dma_wait3A_307[%dma_wait3A_297, %dma_wait3A_308, %dma_wait3A_309] : memref<6x4x4096xf32, #tpu.memory_space<vmem_shared>> -> memref<1x4x4096xf32, #tpu.memory_space<vmem_shared>>
    %dma_wait3A_311 = tpu.memref_squeeze %dma_wait3A_310 : memref<1x4x4096xf32, #tpu.memory_space<vmem_shared>> -> memref<4x4096xf32, #tpu.memory_space<vmem_shared>>
    tpu.wait_dma2 semaphore(%dma_wait3A_300 : memref<!tpu.dma_semaphore, #tpu.memory_space<semaphore_mem>>) src(%dma_wait3A_311 : memref<4x4096xf32, #tpu.memory_space<vmem_shared>>) dst(%dma_wait3A_302 : memref<4x4096xf32, #tpu.memory_space<hbm>>)
    %add3A_312 = arith.constant 252 : i32
    %add3A_313 = arith.addi %mul3A_2, %add3A_312 : i32
    %dma_wait3A_314 = arith.constant 3 : i32
    %dma_wait3A_315 = arith.constant 3 : i32
    %dma_wait3A_316 = tpu.memref_slice %arg5[%dma_wait3A_315] : memref<6x!tpu.dma_semaphore, #tpu.memory_space<semaphore_mem>> -> memref<1x!tpu.dma_semaphore, #tpu.memory_space<semaphore_mem>>
    %dma_wait3A_317 = tpu.memref_squeeze %dma_wait3A_316 : memref<1x!tpu.dma_semaphore, #tpu.memory_space<semaphore_mem>> -> memref<!tpu.dma_semaphore, #tpu.memory_space<semaphore_mem>>
    %dma_wait3A_318 = arith.constant 0 : i32
    %dma_wait3A_319 = arith.constant 0 : i32
    %dma_wait3A_320 = arith.constant 0 : i32
    %dma_wait3A_321 = tpu.memref_slice %arg4[%arg1, %dma_wait3A_318, %dma_wait3A_319, %dma_wait3A_320] : memref<16x6x4x4096xf32, #tpu.memory_space<vmem_shared>> -> memref<1x6x4x4096xf32, #tpu.memory_space<vmem_shared>>
    %dma_wait3A_322 = tpu.memref_squeeze %dma_wait3A_321 : memref<1x6x4x4096xf32, #tpu.memory_space<vmem_shared>> -> memref<6x4x4096xf32, #tpu.memory_space<vmem_shared>>
    %dma_wait3A_323 = arith.constant 0 : i32
    %dma_wait3A_324 = arith.constant 0 : i32
    %dma_wait3A_325 = tpu.memref_slice %dma_wait3A_322[%dma_wait3A_314, %dma_wait3A_323, %dma_wait3A_324] : memref<6x4x4096xf32, #tpu.memory_space<vmem_shared>> -> memref<1x4x4096xf32, #tpu.memory_space<vmem_shared>>
    %dma_wait3A_326 = tpu.memref_squeeze %dma_wait3A_325 : memref<1x4x4096xf32, #tpu.memory_space<vmem_shared>> -> memref<4x4096xf32, #tpu.memory_space<vmem_shared>>
    %dma_wait3A_327 = arith.constant 0 : i32
    %dma_wait3A_328 = tpu.memref_slice %arg2[%add3A_313, %dma_wait3A_327] : memref<8192x4096xf32, #tpu.memory_space<hbm>> -> memref<4x4096xf32, #tpu.memory_space<hbm>>
    tpu.wait_dma2 semaphore(%dma_wait3A_317 : memref<!tpu.dma_semaphore, #tpu.memory_space<semaphore_mem>>) src(%dma_wait3A_328 : memref<4x4096xf32, #tpu.memory_space<hbm>>) dst(%dma_wait3A_326 : memref<4x4096xf32, #tpu.memory_space<vmem_shared>>)
    %add3A_329 = arith.constant 252 : i32
    %add3A_330 = arith.addi %mul3A_2, %add3A_329 : i32
    %dma_start3A_331 = arith.constant 3 : i32
    %dma_start3A_332 = arith.constant 3 : i32
    %dma_start3A_333 = tpu.memref_slice %arg6[%dma_start3A_332] : memref<6x!tpu.dma_semaphore, #tpu.memory_space<semaphore_mem>> -> memref<1x!tpu.dma_semaphore, #tpu.memory_space<semaphore_mem>>
    %dma_start3A_334 = tpu.memref_squeeze %dma_start3A_333 : memref<1x!tpu.dma_semaphore, #tpu.memory_space<semaphore_mem>> -> memref<!tpu.dma_semaphore, #tpu.memory_space<semaphore_mem>>
    %dma_start3A_335 = arith.constant 0 : i32
    %dma_start3A_336 = tpu.memref_slice %arg3[%add3A_330, %dma_start3A_335] : memref<8192x4096xf32, #tpu.memory_space<hbm>> -> memref<4x4096xf32, #tpu.memory_space<hbm>>
    %dma_start3A_337 = arith.constant 0 : i32
    %dma_start3A_338 = arith.constant 0 : i32
    %dma_start3A_339 = arith.constant 0 : i32
    %dma_start3A_340 = tpu.memref_slice %arg4[%arg1, %dma_start3A_337, %dma_start3A_338, %dma_start3A_339] : memref<16x6x4x4096xf32, #tpu.memory_space<vmem_shared>> -> memref<1x6x4x4096xf32, #tpu.memory_space<vmem_shared>>
    %dma_start3A_341 = tpu.memref_squeeze %dma_start3A_340 : memref<1x6x4x4096xf32, #tpu.memory_space<vmem_shared>> -> memref<6x4x4096xf32, #tpu.memory_space<vmem_shared>>
    %dma_start3A_342 = arith.constant 0 : i32
    %dma_start3A_343 = arith.constant 0 : i32
    %dma_start3A_344 = tpu.memref_slice %dma_start3A_341[%dma_start3A_331, %dma_start3A_342, %dma_start3A_343] : memref<6x4x4096xf32, #tpu.memory_space<vmem_shared>> -> memref<1x4x4096xf32, #tpu.memory_space<vmem_shared>>
    %dma_start3A_345 = tpu.memref_squeeze %dma_start3A_344 : memref<1x4x4096xf32, #tpu.memory_space<vmem_shared>> -> memref<4x4096xf32, #tpu.memory_space<vmem_shared>>
    tpu.enqueue_dma source(%dma_start3A_345 : memref<4x4096xf32, #tpu.memory_space<vmem_shared>>) target(%dma_start3A_336 : memref<4x4096xf32, #tpu.memory_space<hbm>>) target_semaphore(%dma_start3A_334 : memref<!tpu.dma_semaphore, #tpu.memory_space<semaphore_mem>>)
    %add3A_346 = arith.constant 240 : i32
    %add3A_347 = arith.addi %mul3A_2, %add3A_346 : i32
    %dma_wait3A_348 = arith.constant 0 : i32
    %dma_wait3A_349 = arith.constant 0 : i32
    %dma_wait3A_350 = tpu.memref_slice %arg6[%dma_wait3A_349] : memref<6x!tpu.dma_semaphore, #tpu.memory_space<semaphore_mem>> -> memref<1x!tpu.dma_semaphore, #tpu.memory_space<semaphore_mem>>
    %dma_wait3A_351 = tpu.memref_squeeze %dma_wait3A_350 : memref<1x!tpu.dma_semaphore, #tpu.memory_space<semaphore_mem>> -> memref<!tpu.dma_semaphore, #tpu.memory_space<semaphore_mem>>
    %dma_wait3A_352 = arith.constant 0 : i32
    %dma_wait3A_353 = tpu.memref_slice %arg3[%add3A_347, %dma_wait3A_352] : memref<8192x4096xf32, #tpu.memory_space<hbm>> -> memref<4x4096xf32, #tpu.memory_space<hbm>>
    %dma_wait3A_354 = arith.constant 0 : i32
    %dma_wait3A_355 = arith.constant 0 : i32
    %dma_wait3A_356 = arith.constant 0 : i32
    %dma_wait3A_357 = tpu.memref_slice %arg4[%arg1, %dma_wait3A_354, %dma_wait3A_355, %dma_wait3A_356] : memref<16x6x4x4096xf32, #tpu.memory_space<vmem_shared>> -> memref<1x6x4x4096xf32, #tpu.memory_space<vmem_shared>>
    %dma_wait3A_358 = tpu.memref_squeeze %dma_wait3A_357 : memref<1x6x4x4096xf32, #tpu.memory_space<vmem_shared>> -> memref<6x4x4096xf32, #tpu.memory_space<vmem_shared>>
    %dma_wait3A_359 = arith.constant 0 : i32
    %dma_wait3A_360 = arith.constant 0 : i32
    %dma_wait3A_361 = tpu.memref_slice %dma_wait3A_358[%dma_wait3A_348, %dma_wait3A_359, %dma_wait3A_360] : memref<6x4x4096xf32, #tpu.memory_space<vmem_shared>> -> memref<1x4x4096xf32, #tpu.memory_space<vmem_shared>>
    %dma_wait3A_362 = tpu.memref_squeeze %dma_wait3A_361 : memref<1x4x4096xf32, #tpu.memory_space<vmem_shared>> -> memref<4x4096xf32, #tpu.memory_space<vmem_shared>>
    tpu.wait_dma2 semaphore(%dma_wait3A_351 : memref<!tpu.dma_semaphore, #tpu.memory_space<semaphore_mem>>) src(%dma_wait3A_362 : memref<4x4096xf32, #tpu.memory_space<vmem_shared>>) dst(%dma_wait3A_353 : memref<4x4096xf32, #tpu.memory_space<hbm>>)
    %add3A_363 = arith.constant 244 : i32
    %add3A_364 = arith.addi %mul3A_2, %add3A_363 : i32
    %dma_wait3A_365 = arith.constant 1 : i32
    %dma_wait3A_366 = arith.constant 1 : i32
    %dma_wait3A_367 = tpu.memref_slice %arg6[%dma_wait3A_366] : memref<6x!tpu.dma_semaphore, #tpu.memory_space<semaphore_mem>> -> memref<1x!tpu.dma_semaphore, #tpu.memory_space<semaphore_mem>>
    %dma_wait3A_368 = tpu.memref_squeeze %dma_wait3A_367 : memref<1x!tpu.dma_semaphore, #tpu.memory_space<semaphore_mem>> -> memref<!tpu.dma_semaphore, #tpu.memory_space<semaphore_mem>>
    %dma_wait3A_369 = arith.constant 0 : i32
    %dma_wait3A_370 = tpu.memref_slice %arg3[%add3A_364, %dma_wait3A_369] : memref<8192x4096xf32, #tpu.memory_space<hbm>> -> memref<4x4096xf32, #tpu.memory_space<hbm>>
    %dma_wait3A_371 = arith.constant 0 : i32
    %dma_wait3A_372 = arith.constant 0 : i32
    %dma_wait3A_373 = arith.constant 0 : i32
    %dma_wait3A_374 = tpu.memref_slice %arg4[%arg1, %dma_wait3A_371, %dma_wait3A_372, %dma_wait3A_373] : memref<16x6x4x4096xf32, #tpu.memory_space<vmem_shared>> -> memref<1x6x4x4096xf32, #tpu.memory_space<vmem_shared>>
    %dma_wait3A_375 = tpu.memref_squeeze %dma_wait3A_374 : memref<1x6x4x4096xf32, #tpu.memory_space<vmem_shared>> -> memref<6x4x4096xf32, #tpu.memory_space<vmem_shared>>
    %dma_wait3A_376 = arith.constant 0 : i32
    %dma_wait3A_377 = arith.constant 0 : i32
    %dma_wait3A_378 = tpu.memref_slice %dma_wait3A_375[%dma_wait3A_365, %dma_wait3A_376, %dma_wait3A_377] : memref<6x4x4096xf32, #tpu.memory_space<vmem_shared>> -> memref<1x4x4096xf32, #tpu.memory_space<vmem_shared>>
    %dma_wait3A_379 = tpu.memref_squeeze %dma_wait3A_378 : memref<1x4x4096xf32, #tpu.memory_space<vmem_shared>> -> memref<4x4096xf32, #tpu.memory_space<vmem_shared>>
    tpu.wait_dma2 semaphore(%dma_wait3A_368 : memref<!tpu.dma_semaphore, #tpu.memory_space<semaphore_mem>>) src(%dma_wait3A_379 : memref<4x4096xf32, #tpu.memory_space<vmem_shared>>) dst(%dma_wait3A_370 : memref<4x4096xf32, #tpu.memory_space<hbm>>)
    %add3A_380 = arith.constant 248 : i32
    %add3A_381 = arith.addi %mul3A_2, %add3A_380 : i32
    %dma_wait3A_382 = arith.constant 2 : i32
    %dma_wait3A_383 = arith.constant 2 : i32
    %dma_wait3A_384 = tpu.memref_slice %arg6[%dma_wait3A_383] : memref<6x!tpu.dma_semaphore, #tpu.memory_space<semaphore_mem>> -> memref<1x!tpu.dma_semaphore, #tpu.memory_space<semaphore_mem>>
    %dma_wait3A_385 = tpu.memref_squeeze %dma_wait3A_384 : memref<1x!tpu.dma_semaphore, #tpu.memory_space<semaphore_mem>> -> memref<!tpu.dma_semaphore, #tpu.memory_space<semaphore_mem>>
    %dma_wait3A_386 = arith.constant 0 : i32
    %dma_wait3A_387 = tpu.memref_slice %arg3[%add3A_381, %dma_wait3A_386] : memref<8192x4096xf32, #tpu.memory_space<hbm>> -> memref<4x4096xf32, #tpu.memory_space<hbm>>
    %dma_wait3A_388 = arith.constant 0 : i32
    %dma_wait3A_389 = arith.constant 0 : i32
    %dma_wait3A_390 = arith.constant 0 : i32
    %dma_wait3A_391 = tpu.memref_slice %arg4[%arg1, %dma_wait3A_388, %dma_wait3A_389, %dma_wait3A_390] : memref<16x6x4x4096xf32, #tpu.memory_space<vmem_shared>> -> memref<1x6x4x4096xf32, #tpu.memory_space<vmem_shared>>
    %dma_wait3A_392 = tpu.memref_squeeze %dma_wait3A_391 : memref<1x6x4x4096xf32, #tpu.memory_space<vmem_shared>> -> memref<6x4x4096xf32, #tpu.memory_space<vmem_shared>>
    %dma_wait3A_393 = arith.constant 0 : i32
    %dma_wait3A_394 = arith.constant 0 : i32
    %dma_wait3A_395 = tpu.memref_slice %dma_wait3A_392[%dma_wait3A_382, %dma_wait3A_393, %dma_wait3A_394] : memref<6x4x4096xf32, #tpu.memory_space<vmem_shared>> -> memref<1x4x4096xf32, #tpu.memory_space<vmem_shared>>
    %dma_wait3A_396 = tpu.memref_squeeze %dma_wait3A_395 : memref<1x4x4096xf32, #tpu.memory_space<vmem_shared>> -> memref<4x4096xf32, #tpu.memory_space<vmem_shared>>
    tpu.wait_dma2 semaphore(%dma_wait3A_385 : memref<!tpu.dma_semaphore, #tpu.memory_space<semaphore_mem>>) src(%dma_wait3A_396 : memref<4x4096xf32, #tpu.memory_space<vmem_shared>>) dst(%dma_wait3A_387 : memref<4x4096xf32, #tpu.memory_space<hbm>>)
    %add3A_397 = arith.constant 252 : i32
    %add3A_398 = arith.addi %mul3A_2, %add3A_397 : i32
    %dma_wait3A_399 = arith.constant 3 : i32
    %dma_wait3A_400 = arith.constant 3 : i32
    %dma_wait3A_401 = tpu.memref_slice %arg6[%dma_wait3A_400] : memref<6x!tpu.dma_semaphore, #tpu.memory_space<semaphore_mem>> -> memref<1x!tpu.dma_semaphore, #tpu.memory_space<semaphore_mem>>
    %dma_wait3A_402 = tpu.memref_squeeze %dma_wait3A_401 : memref<1x!tpu.dma_semaphore, #tpu.memory_space<semaphore_mem>> -> memref<!tpu.dma_semaphore, #tpu.memory_space<semaphore_mem>>
    %dma_wait3A_403 = arith.constant 0 : i32
    %dma_wait3A_404 = tpu.memref_slice %arg3[%add3A_398, %dma_wait3A_403] : memref<8192x4096xf32, #tpu.memory_space<hbm>> -> memref<4x4096xf32, #tpu.memory_space<hbm>>
    %dma_wait3A_405 = arith.constant 0 : i32
    %dma_wait3A_406 = arith.constant 0 : i32
    %dma_wait3A_407 = arith.constant 0 : i32
    %dma_wait3A_408 = tpu.memref_slice %arg4[%arg1, %dma_wait3A_405, %dma_wait3A_406, %dma_wait3A_407] : memref<16x6x4x4096xf32, #tpu.memory_space<vmem_shared>> -> memref<1x6x4x4096xf32, #tpu.memory_space<vmem_shared>>
    %dma_wait3A_409 = tpu.memref_squeeze %dma_wait3A_408 : memref<1x6x4x4096xf32, #tpu.memory_space<vmem_shared>> -> memref<6x4x4096xf32, #tpu.memory_space<vmem_shared>>
    %dma_wait3A_410 = arith.constant 0 : i32
    %dma_wait3A_411 = arith.constant 0 : i32
    %dma_wait3A_412 = tpu.memref_slice %dma_wait3A_409[%dma_wait3A_399, %dma_wait3A_410, %dma_wait3A_411] : memref<6x4x4096xf32, #tpu.memory_space<vmem_shared>> -> memref<1x4x4096xf32, #tpu.memory_space<vmem_shared>>
    %dma_wait3A_413 = tpu.memref_squeeze %dma_wait3A_412 : memref<1x4x4096xf32, #tpu.memory_space<vmem_shared>> -> memref<4x4096xf32, #tpu.memory_space<vmem_shared>>
    tpu.wait_dma2 semaphore(%dma_wait3A_402 : memref<!tpu.dma_semaphore, #tpu.memory_space<semaphore_mem>>) src(%dma_wait3A_413 : memref<4x4096xf32, #tpu.memory_space<vmem_shared>>) dst(%dma_wait3A_404 : memref<4x4096xf32, #tpu.memory_space<hbm>>)
    return
  }
}

</mosaic_0001>

<sc_bundles>
// kernel: kernel.3.cloned.1.call-start
scs
__scs_entry_jumppad:
0x0: {  	(pc) =	sbr.rel $0x88, $3  }
0x1: {  	(tag) =	ssettag $0x0;
	lr =	simm.s32 $0x1  }
0x2: {  	[smem:$0x3FA0] =	sst lr;
	_ =	strace $0xD0000000  }
0x3: {  	_ = 	snop  }
0x4: {  	_ = 	snop  }
0x5: {  	_ = 	snop  }
0x6: {  	_ = 	snop  }
0x7: {  	_ = 	snop  }
__scs_overlays_trampoline_lowered:
0x8: {  	[smem:$0x3FAF] =	sst s0  }
0x9: {  	[smem:$0x3FB0] =	sst s1  }
0xa: {  	[smem:$0x3FB1] =	sst s2  }
0xb: {  	[smem:$0x3FB2] =	sst s3  }
0xc: {  	[smem:$0x3FB3] =	sst s4  }
0xd: {  	[smem:$0x3FB4] =	sst s5  }
0xe: {  	[smem:$0x3FB5] =	sst s6  }
0xf: {  	[smem:$0x3FB6] =	sst s7  }
0x10: {  	[smem:$0x3FB7] =	sst s8  }
0x11: {  	[smem:$0x3FB8] =	sst s9;
	s0 =	simm.s32 @!p0 $0x0  }
0x12: {  	s1 =	sld [smem:$0x3F9E];
	s0 =	simm.s32 @p0 $0x1  }
0x13: {  	[smem:$0x3FB9] =	sst s0;
	s0 =	simm.s32 @!p1 $0x0  }
0x14: {  	s2 =	sld [smem:$0x3F9D];
	s0 =	simm.s32 @p1 $0x1  }
0x15: {  	[smem:$0x3FBA] =	sst s0;
	s0 =	simm.s32 @!p2 $0x0  }
0x16: {  	s3 =	sld [smem:$0x3FDB];
	s0 =	simm.s32 @p2 $0x1  }
0x17: {  	s4 =	simm.s32 $0x1BF5;
	[smem:$0x3FBC] =	sst s0  }
0x18: {  	s0 =	sld [smem:$0x3F9F];
	_ =	swait.ge [sflag:s4], $0x0  }
0x19: {  	s7 =	sld [smem:$0x3FA0]  }
0x1a: {  	s8 =	sadd.s32 $0xFFFFE003, lr  }
0x1b: {  	s9 =	sadd.s32 $0xFFFFFEF7, lr;
	s5 =	simm.s32 $0xFFFFFFFF;
	p2 =	slt.u32 s8, $0xFFFFF086  }
0x1c: {  	p1 =	slt.u32 s9, $0xF7A;
	s5 =	simm.s32 @!p2 $0x0  }
0x1d: {  	s5 =	simm.s32 @p1 $0x1;
	p0 =	seq.s32 s7, s2  }
0x1e: {  	s7 =	smul.u32 @!p0 $0xF7A, s2;
	p2 =	seq.s32 @!p0 s5, $0x0  }
0x1f: {  	s9 =	smul.u32 $0xF7A, s1;
	s8 =	simm.s32 @!p0 $0x1BF5;
	p2 =	por !p2, p0  }
0x20: {  	[sflag:s8] =	ssyncset.s32 @!p0 $0xFFFFF086;
	s6 =	sadd.s32 @!p0 s3, s7;
	s7 =	simm.s32 @!p0 $0x108  }
0x21: {  	s3 =	sadd.s32 s3, s9;
	s6 =	sadd.s32 @!p0 $0x88, s6;
	s7 =	simm.s32 @p2 $0x1082  }
0x22: {  	[simem:s7], [sflag:s8] =	dma.local @!p0 [hbm:s6], $0xF7A  }
0x23: {  	s9 =	sor.u32 $0xD0000000, s2;
	s6 =	simm.s32 $0x108;
	_ =	swait.ge @!p0 [sflag:s8], $0x0  }
0x24: {  	s3 =	sadd.s32 $0x88, s3;
	s6 =	simm.s32 @!p1 $0x1082;
	[sflag:s4] =	ssyncset.s32 $0xFFFFF086  }
0x25: {  	[simem:s6], [sflag:s4] =	dma.local [hbm:s3], $0xF7A  }
0x26: {  	[smem:$0x3FA0] =	sst s1;
	(tag) =	ssettag s2;
	_ =	strace s9  }
0x27: {  	s1 =	sld [smem:$0x3FB0]  }
0x28: {  	s2 =	sld [smem:$0x3FB1]  }
0x29: {  	s4 =	sld [smem:$0x3FB3]  }
0x2a: {  	p0 =	seq.s32 s5, $0x0;
	s5 =	sld [smem:$0x3FB4]  }
0x2b: {  	s6 =	sld [smem:$0x3FB5]  }
0x2c: {  	s7 =	sld [smem:$0x3FB6]  }
0x2d: {  	s3 =	simm.s32 $0x108;
	s8 =	sld [smem:$0x3FB7]  }
0x2e: {  	s3 =	simm.s32 @!p0 $0x1082;
	s9 =	sld [smem:$0x3FB8]  }
0x2f: {  	lr =	sadd.s32 s0, s3;
	s0 =	sld [smem:$0x3FAF]  }
0x30: {  	s3 =	sld [smem:$0x3FB2]  }
0x31: {  	[smem:$0x3FBB] =	sst s10  }
0x32: {  	s10 =	sld [smem:$0x3FB9];
	_ =	sdelay $0x3  }
0x33: {  	p0 =	seq.s32 s10, $0x1;
	s10 =	sld [smem:$0x3FBB];
	_ =	sdelay $0x3  }
0x34: {  	[smem:$0x3FBB] =	sst s10  }
0x35: {  	s10 =	sld [smem:$0x3FBA];
	_ =	sdelay $0x3  }
0x36: {  	p1 =	seq.s32 s10, $0x1;
	s10 =	sld [smem:$0x3FBB];
	_ =	sdelay $0x3  }
0x37: {  	[smem:$0x3FBB] =	sst s10  }
0x38: {  	s10 =	sld [smem:$0x3FBC]  }
0x39: {  	_ = 	snop;
	(pc) =	sbr.ind lr, $3  }
0x3a: {  	_ = 	snop  }
0x3b: {  	_ = 	snop  }
0x3c: {  	p2 =	seq.s32 s10, $0x1;
	s10 =	sld [smem:$0x3FBB]  }
0x3d: {  	_ =	shalt  }
0x3e: {  	_ =	shalt  }
0x3f: {  	_ =	shalt  }
0x40: {  	_ =	shalt  }
0x41: {  	_ =	shalt  }
0x42: {  	_ =	shalt  }
0x43: {  	_ =	shalt  }
0x44: {  	_ =	shalt  }
0x45: {  	_ =	shalt  }
0x46: {  	_ =	shalt  }
0x47: {  	_ =	shalt  }
0x48: {  	_ =	shalt  }
0x49: {  	_ =	shalt  }
0x4a: {  	_ =	shalt  }
0x4b: {  	_ =	shalt  }
0x4c: {  	_ =	shalt  }
0x4d: {  	_ =	shalt  }
0x4e: {  	_ =	shalt  }
0x4f: {  	_ =	shalt  }
0x50: {  	_ =	shalt  }
0x51: {  	_ =	shalt  }
0x52: {  	_ =	shalt  }
0x53: {  	_ =	shalt  }
0x54: {  	_ =	shalt  }
0x55: {  	_ =	shalt  }
0x56: {  	_ =	shalt  }
0x57: {  	_ =	shalt  }
0x58: {  	_ =	shalt  }
0x59: {  	_ =	shalt  }
0x5a: {  	_ =	shalt  }
0x5b: {  	_ =	shalt  }
0x5c: {  	_ =	shalt  }
0x5d: {  	_ =	shalt  }
0x5e: {  	_ =	shalt  }
0x5f: {  	_ =	shalt  }
0x60: {  	_ =	shalt  }
0x61: {  	_ =	shalt  }
0x62: {  	_ =	shalt  }
0x63: {  	_ =	shalt  }
0x64: {  	_ =	shalt  }
0x65: {  	_ =	shalt  }
0x66: {  	_ =	shalt  }
0x67: {  	_ =	shalt  }
0x68: {  	_ =	shalt  }
0x69: {  	_ =	shalt  }
0x6a: {  	_ =	shalt  }
0x6b: {  	_ =	shalt  }
0x6c: {  	_ =	shalt  }
0x6d: {  	_ =	shalt  }
0x6e: {  	_ =	shalt  }
0x6f: {  	_ =	shalt  }
0x70: {  	_ =	shalt  }
0x71: {  	_ =	shalt  }
0x72: {  	_ =	shalt  }
0x73: {  	_ =	shalt  }
0x74: {  	_ =	shalt  }
0x75: {  	_ =	shalt  }
0x76: {  	_ =	shalt  }
0x77: {  	_ =	shalt  }
0x78: {  	_ =	shalt  }
0x79: {  	_ =	shalt  }
0x7a: {  	_ =	shalt  }
0x7b: {  	_ =	shalt  }
0x7c: {  	_ =	shalt  }
0x7d: {  	_ =	shalt  }
0x7e: {  	_ =	shalt  }
0x7f: {  	_ =	shalt  }
0x80: {  	_ =	shalt  }
0x81: {  	_ =	shalt  }
0x82: {  	_ =	shalt  }
0x83: {  	_ =	shalt  }
0x84: {  	_ =	shalt  }
0x85: {  	_ =	shalt  }
0x86: {  	_ =	shalt  }
0x87: {  	_ =	shalt  }
.Lfunc_end0:
.L_simem_size_0:
called_computation_lowered:
.L_overlay_start_0:
0x88: {  	s2 =	sld [smem:$0x3FD9]  }
0x89: {  	s3 =	sld [smem:$0x3FFE];
	_ =	sdelay $0x1  }
0x8a: {  	s1 =	srdreg.scid  }
0x8b: {  	s0 =	sand.u32 $0x1, s1  }
0x8c: {  	s18 =	sshll.u32 s0, $0xA;
	s2 =	sadd.s32 s3, s2  }
0x8d: {  	s2 =	sadd.s32 s2, s18  }
0x8e: {  	[smem:$0x3FC7] =	sst s2  }
0x8f: {  	_ = 	snop  }
0x90: {  	s2 =	sld [smem:$0x3FC9]  }
0x91: {  	s19 =	sld [smem:$0x3FD0];
	(tm) =	ssettm $0x1  }
0x92: {  	s4 =	sld [smem:$0x3FFB];
	_ =	sdelay $0x3  }
0x93: {  	_ =	strace s4  }
0x94: {  	s4 =	sld [smem:$0x3FFC];
	_ =	sdelay $0x3  }
0x95: {  	_ =	strace s4  }
0x96: {  	s4 =	sld [smem:$0x3FFD];
	_ =	sdelay $0x3  }
0x97: {  	_ =	strace s4  }
0x98: {  	_ =	strace $0x8FFFFFFF  }
0x99: {  	s20 =	sld [smem:$0x3FDB];
	_ =	sdelay $0x1  }
0x9a: {  	s5 =	simm.s32 $_scs_section_size  }
0x9b: {  	s6 =	simm.s32 $_size__tile_overlayer_lowered;
	s7 =	simm.s32 $_tile_overlayer_lowered  }
0x9c: {  	s23 =	simm.s32 $0x1BFF;
	s22 =	sshll.u32 s7, $0x1;
	s4 =	sadd.s32 s5, s20  }
0x9d: {  	s8 =	simm.s32 $0x0;
	s21 =	sshll.u32 s6, $0x1;
	s6 =	sadd.s32 s22, s4  }
0x9e: {  	[timem:s8], [sflag:s23] =	dma.local [hbm:s6], s21  }
0x9f: {  	_ =	swait.ge [sflag:s23], s21  }
0xa0: {  	s5 =	ssub.s32 $0x0, s21;
	[sflag:s23] =	ssyncset.done $0x0  }
0xa1: {  	[sflag:s23] =	ssyncadd.s32 s5;
	_ =	sdelay $0x1  }
0xa2: {  	s24 =	simm.s32 $0x1B8B  }
0xa3: {  	_ =	swait.ge [sflag:s24], $0x1  }
0xa4: {  	[sflag:s24] =	ssyncset.done $0x0  }
0xa5: {  	s25 =	simm.s32 $0x1B8E;
	[sflag:s24] =	ssyncadd.s32 $0xFFFFFFFF  }
0xa6: {  	s26 =	simm.s32 $execute0_lowered;
	[smem:$0x3FD2] =	sst s25  }
0xa7: {  	s5 =	sshll.u32 s26, $0x1;
	_ =	strace $0x80000046;
	[dreg:$0x1] =	wrdreg $0xFFFFFFFF  }
0xa8: {  	s28 =	simm.s32 $_size_execute0_lowered;
	s4 =	sadd.s32 s4, s5;
	[dreg:$0x0] =	wrdreg $0x0  }
0xa9: {  	s5 =	sshll.u32 s28, $0x1;
	[dreg:$0x2] =	wrdreg s4  }
0xaa: {  	[dreg:$0x3] =	wrdreg s5  }
0xab: {  	[dreg:$0x4] =	wrdreg $0xC0  }
0xac: {  	_ =	task [dreg:s8], $0x5FFFF  }
0xad: {  	[dreg:$0x1] =	wrdreg $0xFFFFFFFF  }
0xae: {  	[dreg:$0x0] =	wrdreg $0x60  }
0xaf: {  	[dreg:$0x2] =	wrdreg s2  }
0xb0: {  	[dreg:$0x3] =	wrdreg s19  }
0xb1: {  	[dreg:$0x4] =	wrdreg $0x0  }
0xb2: {  	[dreg:$0x5] =	wrdreg $0x9  }
0xb3: {  	_ =	task.clear_ibuf [dreg:s8], $0x6FFFF;
	_ =	strace $0x90000046  }
0xb4: {  	s29 =	simm.s32 $0x9;
	_ =	strace $0x80000048  }
0xb5: {  	_ =	swait.ge [sflag:s29], $0x1  }
0xb6: {  	[sflag:s29] =	ssyncadd.s32 $0xFFFFFFFF  }
0xb7: {  	_ =	strace $0x90000048  }
0xb8: {  	_ =	sfence  }
0xb9: {  	s30 =	sld [smem:$0x0];
	_ =	sdelay $0x2  }
0xba: {  	s31 =	sshll.u32 s1, $0xD;
	s1 =	sshrl.u32 s1, $0x2  }
0xbb: {  	s3 =	sand.u32 $0x4000, s31;
	s1 =	sadd.s32 s1, s30  }
0xbc: {  	s0 =	sor.u32 s3, s0;
	s1 =	sshll.u32 s1, $0x11  }
0xbd: {  	s0 =	sor.u32 s1, s0  }
0xbe: {  	s0 =	sadd.s32 $0x8F2B, s0  }
0xbf: {  	[sflag:s0] =	ssyncadd.remote.s32 $0x1  }
0xc0: {  	_ =	sfence.sel $0xFFFF  }
0xc1: {  	[dreg:$0x0] =	wrdreg $0xFFFFFFFF;
	(pc) =	sbr.abs _section_cstart, $3  }
0xc2: {  	[dreg:$0x1] =	wrdreg $0xFFFFFFFF  }
0xc3: {  	_ =	task.clear_ibuf [dreg:s8], $0x2FFFF;
	_ =	strace $0x9FFFFFFF  }
0xc4: {  	(tm) =	ssettm $0x7FFFFFFF  }
0xc5: {  	_ =	shalt  }
tec
execute0_lowered:
.L_overlay_start_1:
0x0: {  	(tag) =	ssettag $0x1  }
0x1: {  	s1 =	rddreg [dreg:$0x0]  }
0x2: {  	s0 =	rddreg [dreg:$0x1];
	s3 =	srdreg.scid  }
0x3: {  	s2 =	rddreg [dreg:$0x2];
	s9 =	stileid.u32;
	s4 =	sand.u32 $0x1, s3  }
0x4: {  	s3 =	simm.s32 $0x0;
	s7 =	smul.u32 $0x60000, s9;
	s5 =	ssub.s32 $0x2, s4  }
0x5: {  	[smem:$0x7FF] =	sst s3;
	s6 =	sshrl.u32 s5, $0x1  }
0x6: {  	s25 =	sshrl.u32 s7, $0x2;
	s8 =	ssub.s32 s5, s6;
	s6 =	sshll.u32 s9, $0x6  }
0x7: {  	s31 =	sshll.u32 s4, $0x11;
	s4 =	sadd.s32 s25, s2;
	s10 =	sor.u32 $0x1C01, s6  }
0x8: {  	_ =	strace $0x80000047;
	s13 =	sadd.s32 $0x4000, s4;
	[dreg:$0x5] =	wrdreg s10  }
0x9: {  	s26 =	sshll.u32 s9, $0x12;
	s16 =	sadd.s32 $0x8000, s4;
	[dreg:$0x6] =	wrdreg s13  }
0xa: {  	s5 =	sor.u32 s31, s26;
	s18 =	sadd.s32 $0xC000, s4;
	[dreg:$0x8] =	wrdreg s16  }
0xb: {  	s11 =	sadd.s32 s1, s5;
	[dreg:$0xa] =	wrdreg s18  }
0xc: {  	s12 =	sor.u32 $0x40, s5;
	s25 =	smax.u32 s8, $0x1;
	[dreg:$0x4] =	wrdreg s11  }
0xd: {  	s15 =	sor.u32 $0x1000, s5;
	s14 =	sadd.s32 s1, s12;
	[dreg:$0x13] =	wrdreg s25  }
0xe: {  	s17 =	sadd.s32 s1, s15;
	[dreg:$0x7] =	wrdreg s14  }
0xf: {  	s19 =	sadd.s32 $0x1040, s11;
	[dreg:$0x9] =	wrdreg s17  }
0x10: {  	s10 =	sadd.s32 $0x2000, s11;
	[dreg:$0xb] =	wrdreg s19  }
0x11: {  	s11 =	sadd.s32 $0x2040, s11;
	[dreg:$0xc] =	wrdreg s10  }
0x12: {  	s20 =	sadd.s32 $0x10000, s4;
	s2 =	sadd.s32 s0, s12;
	[dreg:$0xd] =	wrdreg s11  }
0x13: {  	s21 =	sadd.s32 $0x14000, s4;
	s26 =	sshrl.u32 s20, $0x3;
	[dreg:$0xe] =	wrdreg s2  }
0x14: {  	s28 =	simm.s32 $0x4;
	s31 =	sshrl.u32 s21, $0x3;
	[dreg:$0x14] =	wrdreg s26  }
0x15: {  	s17 =	sadd.s32 s0, s5;
	s0 =	sadd.s32 s0, s15;
	[dreg:$0x15] =	wrdreg s31  }
0x16: {  	s29 =	simm.s32 $0x40;
	[dreg:$0xf] =	wrdreg s0;
	s22 =	sadd.s32 $0x1E040, s17  }
0x17: {  	s30 =	simm.s32 $0x80;
	s23 =	sadd.s32 $0x1F000, s17;
	[dreg:$0x10] =	wrdreg s22  }
0x18: {  	s8 =	simm.s32 $0x3;
	s24 =	sadd.s32 $0x1F040, s17;
	[dreg:$0x11] =	wrdreg s23  }
0x19: {  	s26 =	sshrl.u32 s4, $0x3;
	s0 =	simm.s32 $0x2;
	[dreg:$0x12] =	wrdreg s24  }
.LBB2_1:
0x1a: {  	s2 =	rddreg [dreg:$0x4]  }
0x1b: {  	s7 =	rddreg [dreg:$0x5]  }
0x1c: {  	[spmem:s26@s29], [sflag:s7] =	dma.strided [hbm:s2@s30], $0x800, s28, $0x10   }
0x1d: {  	s7 =	rddreg [dreg:$0x6]  }
0x1e: {  	s11 =	sor.u32 $0x1C02, s6;
	s12 =	rddreg [dreg:$0x7];
	s16 =	sshrl.u32 s7, $0x3  }
0x1f: {  	[spmem:s16@s29], [sflag:s11] =	dma.strided [hbm:s12@s30], $0x800, s28, $0x10   }
0x20: {  	s7 =	rddreg [dreg:$0x8]  }
0x21: {  	s13 =	sor.u32 $0x1C03, s6;
	s14 =	rddreg [dreg:$0x9];
	s15 =	sshrl.u32 s7, $0x3  }
0x22: {  	[spmem:s15@s29], [sflag:s13] =	dma.strided [hbm:s14@s30], $0x800, s28, $0x10   }
0x23: {  	s7 =	rddreg [dreg:$0xa]  }
0x24: {  	s18 =	sor.u32 $0x1C04, s6;
	s19 =	rddreg [dreg:$0xb];
	s14 =	sshrl.u32 s7, $0x3  }
0x25: {  	[spmem:s14@s29], [sflag:s18] =	dma.strided [hbm:s19@s30], $0x800, s28, $0x10   }
0x26: {  	s7 =	rddreg [dreg:$0xc]  }
0x27: {  	s20 =	sor.u32 $0x1C05, s6;
	s9 =	rddreg [dreg:$0x14]  }
0x28: {  	[spmem:s9@s29], [sflag:s20] =	dma.strided [hbm:s7@s30], $0x800, s28, $0x10   }
0x29: {  	s21 =	sor.u32 $0x1C06, s6;
	s22 =	simm.s32 $0x1;
	s7 =	rddreg [dreg:$0xd]  }
0x2a: {  	s23 =	sor.u32 $0x1C07, s6;
	s19 =	sor.u32 $0x1C08, s6;
	s9 =	rddreg [dreg:$0x15]  }
0x2b: {  	[spmem:s9@s29], [sflag:s21] =	dma.strided [hbm:s7@s30], $0x800, s28, $0x10   }
0x2c: {  	s7 =	simm.s32 $0x0;
	s9 =	smul.u32 $0xAB, s8;
	_ =	swait.ge [sflag:s22], $0x800  }
0x2d: {  	s18 =	sor.u32 $0x1C09, s6;
	s2 =	smul.u32 $0x2B, s7;
	[sflag:s22] =	ssyncset.done $0x0  }
0x2e: {  	s21 =	simm.s32 $0x3000;
	s7 =	sshrl.u32 s9, $0xA;
	[sflag:s22] =	ssyncadd.s32 $0xFFFFF800  }
0x2f: {  	s20 =	sshrl.u32 s2, $0x1F;
	s2 =	sshrl.u32 s2, $0x8;
	s7 =	sand.u32 $0x3F, s7  }
0x30: {  	[hbm:s17@s30], [sflag:s23] =	dma.strided [spmem:s26@s29], $0x800, s28, $0x10   }
0x31: {  	s22 =	simm.s32 $0x1800;
	s2 =	sadd.s32 s20, s2;
	s7 =	smul.u32 $0x6, s7  }
0x32: {  	s20 =	sor.u32 $0x1C00, s6;
	s23 =	simm.s32 $0xC0;
	s22 =	sand.u32 $0x1F000, s22  }
0x33: {  	_ =	swait.ge [sflag:s0], $0x800;
	s2 =	smul.u32 $0x6, s2;
	s23 =	sand.u32 $0x40, s23  }
0x34: {  	[sflag:s0] =	ssyncset.done $0x0;
	s24 =	rddreg [dreg:$0xe];
	s7 =	ssub.s32 $0x3, s7  }
0x35: {  	s22 =	sor.u32 s23, s22;
	[sflag:s0] =	ssyncadd.s32 $0xFFFFF800;
	s2 =	ssub.s32 $0x0, s2  }
0x36: {  	[hbm:s24@s30], [sflag:s19] =	dma.strided [spmem:s16@s29], $0x800, s28, $0x10   }
0x37: {  	s23 =	simm.s32 $0x3800;
	s12 =	sadd.s32 s22, s17;
	s2 =	sshll.u32 s2, $0x18  }
0x38: {  	s24 =	sand.u32 $0xFF, s7;
	_ =	swait.ge [sflag:s8], $0x800;
	s7 =	sshra.s32 s2, $0x18  }
0x39: {  	s10 =	sadd.s32 $0x1, s24;
	[sflag:s8] =	ssyncset.done $0x0;
	s25 =	rddreg [dreg:$0xf]  }
0x3a: {  	p0 =	slt.s32 s7, $0x0;
	s31 =	sadd.s32 $0x6, s7;
	[sflag:s8] =	ssyncadd.s32 $0xFFFFF800  }
0x3b: {  	s7 =	smov.u32 @p0 s31;
	s31 =	sadd.s32 s20, s24;
	s24 =	sshll.u32 s24, $0xE  }
0x3c: {  	[hbm:s25@s30], [sflag:s18] =	dma.strided [spmem:s15@s29], $0x800, s28, $0x10   }
0x3d: {  	s22 =	simm.s32 $0x4;
	s25 =	simm.s32 $0x180;
	s24 =	sadd.s32 s24, s4  }
0x3e: {  	s11 =	sadd.s32 $0x7, s31;
	s13 =	sshll.u32 s7, $0x10;
	_ =	swait.ge [sflag:s10], $0x800  }
0x3f: {  	s31 =	sadd.s32 $0x7, s7;
	s24 =	sshrl.u32 s24, $0x3;
	[sflag:s10] =	ssyncset.done $0x0  }
0x40: {  	s25 =	sand.u32 $0x40, s25;
	s2 =	sshra.s32 s13, $0x2;
	[sflag:s10] =	ssyncadd.s32 $0xFFFFF800  }
0x41: {  	[hbm:s12@s30], [sflag:s11] =	dma.strided [spmem:s24@s29], $0x800, s28, $0x10   }
0x42: {  	s25 =	sadd.s32 s1, s25;
	s2 =	sadd.s32 s2, s4;
	s24 =	simm.s32 $0x1C0  }
.LBB2_2:
0x43: {  	_ =	swait.ge [sflag:s31], $0x800;
	s9 =	sadd.s32 s21, s5;
	s7 =	sadd.s32 s20, s7  }
0x44: {  	s10 =	smov.u32 s22;
	s21 =	smov.u32 s23;
	s11 =	smov.u32 s24  }
0x45: {  	s2 =	sshrl.u32 s2, $0x3;
	[sflag:s31] =	ssyncset.done $0x0;
	s7 =	sadd.s32 $0x1, s7  }
0x46: {  	p0 =	sne.s32 s22, $0x3C;
	s9 =	sand.u32 $0x7FF000, s9;
	[sflag:s31] =	ssyncadd.s32 $0xFFFFF800  }
0x47: {  	s22 =	sadd.s32 $0x1, s22;
	s31 =	sadd.s32 $0xFFFFFFFD, s10;
	s9 =	sadd.s32 s9, s25  }
0x48: {  	[spmem:s2@s29], [sflag:s7] =	dma.strided [hbm:s9@s30], $0x800, s28, $0x10   }
0x49: {  	s2 =	sshll.u32 s31, $0x18  }
0x4a: {  	s7 =	smul.u32 $0xAB, s10;
	s2 =	sshra.s32 s2, $0x18  }
0x4b: {  	s2 =	smul.u32 $0x2B, s2  }
0x4c: {  	s23 =	sadd.s32 $0x800, s23;
	s24 =	sadd.s32 $0x40, s24;
	s7 =	sshrl.u32 s7, $0xA  }
0x4d: {  	s7 =	sand.u32 $0x3F, s7;
	s9 =	sshrl.u32 s2, $0x1F;
	s2 =	sshrl.u32 s2, $0x8  }
0x4e: {  	s25 =	sand.u32 $0x40, s11;
	s7 =	smul.u32 $0x6, s7;
	s2 =	sadd.s32 s9, s2  }
0x4f: {  	s25 =	sadd.s32 s1, s25;
	s9 =	sadd.s32 $0xFFFFE800, s21;
	s2 =	smul.u32 $0x6, s2  }
0x50: {  	s7 =	ssub.s32 s10, s7;
	s10 =	sadd.s32 $0xFFFFFF40, s11;
	s9 =	sand.u32 $0x1F000, s9  }
0x51: {  	s7 =	sand.u32 $0xFF, s7;
	s10 =	sand.u32 $0x40, s10;
	s2 =	ssub.s32 s31, s2  }
0x52: {  	s11 =	sadd.s32 $0x1, s7;
	s12 =	sadd.s32 s20, s7;
	s2 =	sshll.u32 s2, $0x18  }
0x53: {  	s31 =	sshll.u32 s7, $0xE;
	s7 =	sshra.s32 s2, $0x18;
	_ =	swait.ge [sflag:s11], $0x800  }
0x54: {  	s2 =	sadd.s32 s31, s4;
	p1 =	slt.s32 s7, $0x0;
	s31 =	sadd.s32 $0x6, s7  }
.Ltmp0:
0x55: {  	s13 =	sshrl.u32 s2, $0x3;
	s7 =	smov.u32 @p1 s31;
	(pc) =	sbr.rel @p0 .LBB2_2-.Ltmp0, $4  }
0x56: {  	s31 =	sadd.s32 $0x7, s7;
	s2 =	sshll.u32 s7, $0x10;
	[sflag:s11] =	ssyncset.done $0x0  }
0x57: {  	s9 =	sor.u32 s10, s9;
	s10 =	sadd.s32 $0x7, s12;
	s2 =	sshra.s32 s2, $0x2  }
0x58: {  	s9 =	sadd.s32 s9, s17;
	s2 =	sadd.s32 s2, s4;
	[sflag:s11] =	ssyncadd.s32 $0xFFFFF800  }
0x59: {  	[hbm:s9@s30], [sflag:s10] =	dma.strided [spmem:s13@s29], $0x800, s28, $0x10   }
0x5a: {  	_ =	swait.ge [sflag:s31], $0x800;
	s9 =	sadd.s32 s21, s5;
	s7 =	sadd.s32 s20, s7  }
0x5b: {  	s2 =	sshrl.u32 s2, $0x3;
	[sflag:s31] =	ssyncset.done $0x0;
	s9 =	sand.u32 $0x7FF000, s9  }
0x5c: {  	s7 =	sadd.s32 $0x1, s7;
	[sflag:s31] =	ssyncadd.s32 $0xFFFFF800;
	s9 =	sadd.s32 s9, s25  }
0x5d: {  	[spmem:s2@s29], [sflag:s7] =	dma.strided [hbm:s9@s30], $0x800, s28, $0x10   }
0x5e: {  	_ =	swait.ge [sflag:s0], $0x800  }
0x5f: {  	[sflag:s0] =	ssyncset.done $0x0  }
0x60: {  	s13 =	simm.s32 $0xB;
	s12 =	rddreg [dreg:$0x10];
	[sflag:s0] =	ssyncadd.s32 $0xFFFFF800  }
0x61: {  	[hbm:s12@s30], [sflag:s19] =	dma.strided [spmem:s16@s29], $0x800, s28, $0x10   }
0x62: {  	_ =	swait.ge [sflag:s13], $0x800  }
0x63: {  	[sflag:s13] =	ssyncset.done $0x0  }
0x64: {  	[sflag:s13] =	ssyncadd.s32 $0xFFFFF800  }
0x65: {  	_ =	swait.ge [sflag:s8], $0x800  }
0x66: {  	[sflag:s8] =	ssyncset.done $0x0  }
0x67: {  	s19 =	simm.s32 $0xC;
	s16 =	rddreg [dreg:$0x11];
	[sflag:s8] =	ssyncadd.s32 $0xFFFFF800  }
0x68: {  	[hbm:s16@s30], [sflag:s18] =	dma.strided [spmem:s15@s29], $0x800, s28, $0x10   }
0x69: {  	_ =	swait.ge [sflag:s19], $0x800  }
0x6a: {  	[sflag:s19] =	ssyncset.done $0x0  }
0x6b: {  	[sflag:s19] =	ssyncadd.s32 $0xFFFFF800  }
0x6c: {  	_ =	swait.ge [sflag:s28], $0x800  }
0x6d: {  	s20 =	sor.u32 $0x1C0A, s6;
	[sflag:s28] =	ssyncset.done $0x0  }
0x6e: {  	s22 =	simm.s32 $0x7;
	s21 =	rddreg [dreg:$0x12];
	[sflag:s28] =	ssyncadd.s32 $0xFFFFF800  }
0x6f: {  	[hbm:s21@s30], [sflag:s20] =	dma.strided [spmem:s14@s29], $0x800, s28, $0x10   }
0x70: {  	_ =	swait.ge [sflag:s22], $0x800  }
0x71: {  	[sflag:s22] =	ssyncset.done $0x0  }
0x72: {  	s23 =	simm.s32 $0x8;
	[sflag:s22] =	ssyncadd.s32 $0xFFFFF800  }
0x73: {  	_ =	swait.ge [sflag:s23], $0x800  }
0x74: {  	[sflag:s23] =	ssyncset.done $0x0  }
0x75: {  	s24 =	simm.s32 $0x9;
	[sflag:s23] =	ssyncadd.s32 $0xFFFFF800  }
0x76: {  	_ =	swait.ge [sflag:s24], $0x800  }
0x77: {  	[sflag:s24] =	ssyncset.done $0x0  }
0x78: {  	s25 =	simm.s32 $0xA;
	[sflag:s24] =	ssyncadd.s32 $0xFFFFF800  }
0x79: {  	_ =	swait.ge [sflag:s25], $0x800  }
0x7a: {  	s3 =	sadd.s32 $0x1, s3;
	s31 =	rddreg [dreg:$0x13]  }
0x7b: {  	p0 =	sne.s32 s3, s31  }
.Ltmp1:
0x7c: {  	_ = 	snop;
	(pc) =	sbr.rel @p0 .LBB2_1-.Ltmp1, $3  }
0x7d: {  	_ =	sdelay $0x1  }
0x7e: {  	[sflag:s25] =	ssyncset.done $0x0  }
0x7f: {  	[sflag:s25] =	ssyncadd.s32 $0xFFFFF800  }
0x80: {  	_ =	sfence.sel $0x180000  }
0x81: {  	[bflag:$0x0] =	sbarrier.arrive $0xFFFF  }
0x82: {  	_ =	strace $0x90000047  }
0x83: {  	s0 =	stileid.u32;
	[bflag:$0x2] =	sbarrier.arrive $0xFFFF  }
0x84: {  	p0 =	sne.s32 s0, $0x0;
	s0 =	rddreg [dreg:$0x3]  }
0x85: {  	s0 =	sadd.s32 @!p0 $0x100000, s0  }
0x86: {  	[sflag:s0] =	ssyncadd.tile.s32 @!p0 $0x1;
	_ =	shalt  }
.Lfunc_end2:
_tile_overlayer_lowered:
.L_overlay_start_2:
0x87: {  	(tag) =	ssettag $0x2  }
0x88: {  	s0 =	rddreg [dreg:$0x0];
	s2 =	stileid.u32  }
0x89: {  	s1 =	rddreg [dreg:$0x1];
	p0 =	sne.s32 s2, $0x0  }
0x8a: {  	s3 =	rddreg [dreg:$0x2];
	[bflag:$0x3] =	sbarrier.arrive $0xFFFF;
	s2 =	simm.s32 @!p0 $0x1C0D  }
0x8b: {  	[timem:s3], [sflag:s2] =	dma.local @!p0 [hbm:s0], s1  }
0x8c: {  	s0 =	simm.s32 @!p0 $0xD  }
0x8d: {  	_ =	swait.ge @!p0 [sflag:s0], s1  }
0x8e: {  	s1 =	ssub.s32 @!p0 $0x0, s1;
	[sflag:s0] =	ssyncset.done @!p0 $0x0  }
0x8f: {  	[sflag:s0] =	ssyncadd.s32 @!p0 s1  }
0x90: {  	[bflag:$0x3] =	sbarrier.arrive $0xFFFF  }
0x91: {  	_ =	shalt  }

</sc_bundles>
